<compile_context>
chip_gen: v7x
topology: tpu7x:2x2x1
jax: 0.10.2.dev20260603
libtpu: 0.0.44.dev20260713+nightly
codegen_flags: <defaults>
</compile_context>

<pallas_src>
import functools

import jax
import jax.numpy as jnp
from jax import lax
from jax.experimental import pallas as pl
from jax.experimental.pallas import tpu as pltpu
from jax.experimental.pallas import tpu_sc as plsc

BB, GG, C = 4, 8192, 128
N = BB * GG
GXP = 131
PB = GXP * GXP
NCELL = BB * PB
HPAD = GXP + 1
BLK = 512
NOUT = 135 * BLK
NW = 32
SHARD = 2176
HG = NW * SHARD
NZ = 64
CHUNK = 128

_MESH = plsc.VectorSubcoreMesh(core_axis_name="c", subcore_axis_name="s")


def _prep_body(a_ref, o_ref):
    a = a_ref[...]
    xy = jax.nn.sigmoid(jnp.clip(a, -10.0, 10.0))
    mn = jnp.min(xy, axis=1, keepdims=True)
    gs = jnp.float32(1.0) / jnp.float32(128.0)
    ij = ((xy - mn) / gs).astype(jnp.int32)
    x = ij[0:1, :]
    y = ij[1:2, :]
    pid = lax.broadcasted_iota(jnp.int32, (1, N), 1)
    b = lax.shift_right_logical(pid, 13)
    o_ref[...] = b * PB + (x + 1) * GXP + (y + 1)


def _prep(a2):
    return pl.pallas_call(
        _prep_body,
        out_shape=jax.ShapeDtypeStruct((1, N), jnp.int32),
    )(a2)


def _grid_body(flat_hbm, feats_hbm, hg_hbm, flatbuf, map_v, rowbuf, sem):
    wid = lax.axis_index("s") * 2 + lax.axis_index("c")
    base = wid * SHARD
    pltpu.sync_copy(flat_hbm, flatbuf)

    lanes = lax.iota(jnp.int32, 16)

    def initb(i, carry):
        g = i * 16 + lanes
        vals = N + ((base + g) & (NZ - 1))
        plsc.store_scatter(map_v, [g], vals)
        return carry

    lax.fori_loop(0, SHARD // 16, initb, 0)

    def scanb(p, carry):
        loc = flatbuf[pl.ds(p * 16, 16)] + (HPAD - base)
        msk = (loc >= 0) & (loc < SHARD)
        locc = jnp.where(msk, loc, 0)
        idxs = p * 16 + lanes
        plsc.store_scatter(map_v, [locc], idxs, mask=msk)
        return carry

    lax.fori_loop(0, N // 16, scanb, 0)

    for cc in range(SHARD // CHUNK):
        pltpu.async_copy(
            feats_hbm.at[map_v.at[pl.ds(cc * CHUNK, CHUNK)]], rowbuf, sem).wait()
        pltpu.sync_copy(rowbuf, hg_hbm.at[pl.ds(base + cc * CHUNK, CHUNK)])


def _build_grid(flat, feats_ext):
    f = functools.partial(
        pl.kernel,
        out_type=jax.ShapeDtypeStruct((HG, C), jnp.float32),
        mesh=_MESH,
        compiler_params=pltpu.CompilerParams(needs_layout_passes=False),
        scratch_types=[
            pltpu.VMEM((N,), jnp.int32),
            pltpu.VMEM((SHARD,), jnp.int32),
            pltpu.VMEM((CHUNK, C), jnp.float32),
            pltpu.SemaphoreType.DMA,
        ],
    )(_grid_body)
    return f(flat, feats_ext)


def _conv_body(hg_hbm, w_ref, o_ref, hbuf, sem):
    i = pl.program_id(0)
    cp = pltpu.make_async_copy(
        hg_hbm.at[pl.ds(i * BLK, BLK + 2 * HPAD)], hbuf, sem)
    cp.start()
    cp.wait()
    acc = jnp.zeros((BLK, C), jnp.float32)
    for t in range(9):
        off = GXP * (t // 3) + (t % 3)
        acc = acc + jnp.dot(hbuf[pl.ds(off, BLK), :], w_ref[t],
                            preferred_element_type=jnp.float32)
    o_ref[...] = acc


def _conv(hgrid, wt):
    return pl.pallas_call(
        _conv_body,
        grid=(NOUT // BLK,),
        in_specs=[
            pl.BlockSpec(memory_space=pl.ANY),
            pl.BlockSpec((9, C, C), lambda i: (0, 0, 0)),
        ],
        out_specs=pl.BlockSpec((BLK, C), lambda i: (i, 0)),
        out_shape=jax.ShapeDtypeStruct((NOUT, C), jnp.float32),
        scratch_shapes=[
            pltpu.VMEM((BLK + 2 * HPAD, C), jnp.float32),
            pltpu.SemaphoreType.DMA,
        ],
    )(hgrid, wt)


def _out_body(og_hbm, flat_hbm, out_hbm, idxbuf, rowbuf, sem):
    wid = lax.axis_index("s") * 2 + lax.axis_index("c")
    ppw = N // NW
    pltpu.sync_copy(flat_hbm.at[pl.ds(wid * ppw, ppw)], idxbuf)
    for cc in range(ppw // CHUNK):
        pltpu.async_copy(
            og_hbm.at[idxbuf.at[pl.ds(cc * CHUNK, CHUNK)]], rowbuf, sem).wait()
        pltpu.sync_copy(rowbuf, out_hbm.at[pl.ds(wid * ppw + cc * CHUNK, CHUNK)])


def _gather_out(out_grid, flat):
    f = functools.partial(
        pl.kernel,
        out_type=jax.ShapeDtypeStruct((N, C), jnp.float32),
        mesh=_MESH,
        compiler_params=pltpu.CompilerParams(needs_layout_passes=False),
        scratch_types=[
            pltpu.VMEM((N // NW,), jnp.int32),
            pltpu.VMEM((CHUNK, C), jnp.float32),
            pltpu.SemaphoreType.DMA,
        ],
    )(_out_body)
    return f(out_grid, flat)


def kernel(instance_feature, anchor, W):
    feats = instance_feature.reshape(N, C).astype(jnp.float32)
    feats_ext = jnp.concatenate(
        [feats, jnp.zeros((NZ, C), jnp.float32)], axis=0)
    a2 = anchor[..., :2].reshape(N, 2).T
    wt = W.reshape(9, C, C)
    flat = _prep(a2).reshape(N)
    hgrid = _build_grid(flat, feats_ext)
    out_grid = _conv(hgrid, wt)
    out = _gather_out(out_grid, flat)
    return out.reshape(BB, GG, C)

# --- scband reference (transcript-rebuilt; emitter-appended) ---
"""Pipeline reference for scband-sparse-conv-24610162606296 (READ-ONLY COPY).

The authoritative reference and input builder live on the scoring server;
editing this copy changes nothing except your own understanding.
"""

import jax, jax.numpy as jnp
import numpy as np

B, G, C_IN, C_OUT, K = 4, 8192, 128, 128, 3
FM = (128, 128)
GX, GY = FM[0] + 1, FM[1] + 1  # indices can reach fm_shape, keep one extra cell for safety


def setup_inputs(seed: int = 0) -> dict:
    key = jax.random.key(seed)
    k1, k2, k3 = jax.random.split(key, 3)
    instance_feature = jax.random.normal(k1, (B, G, C_IN), dtype=jnp.float32)
    anchor = jax.random.normal(k2, (B, G, 11), dtype=jnp.float32)
    # SubMConv2d weight, no bias: [k, k, C_in, C_out]
    W = jax.random.normal(k3, (K, K, C_IN, C_OUT), dtype=jnp.float32) * 0.05
    return {"instance_feature": instance_feature, "anchor": anchor, "W": W}


def _safe_sigmoid(x):
    return jax.nn.sigmoid(jnp.clip(x, -10.0, 10.0))


def _subm_conv2d(feats, coords_xy, batch_idx, W):
    # Submanifold sparse conv: outputs only at active input sites; neighbors
    # looked up via a dense coord -> point-index hash map (like spconv's hash table).
    N = feats.shape[0]
    pad = (K - 1) // 2
    flat = batch_idx * (GX * GY) + coords_xy[:, 0] * GY + coords_xy[:, 1]
    idx_map = jnp.full((B * GX * GY,), -1, dtype=jnp.int32).at[flat].set(
        jnp.arange(N, dtype=jnp.int32))
    out = jnp.zeros((N, W.shape[-1]), dtype=jnp.float32)
    for dx in range(-pad, pad + 1):
        for dy in range(-pad, pad + 1):
            nx = coords_xy[:, 0] + dx
            ny = coords_xy[:, 1] + dy
            valid = (nx >= 0) & (nx < GX) & (ny >= 0) & (ny < GY)
            nflat = batch_idx * (GX * GY) + jnp.clip(nx, 0, GX - 1) * GY + jnp.clip(ny, 0, GY - 1)
            j = idx_map[nflat]
            valid = valid & (j >= 0)
            nf = jnp.where(valid[:, None], feats[jnp.clip(j, 0, N - 1)], 0.0)
            out = out + nf @ W[dx + pad, dy + pad]
    return out


def reference(instance_feature, anchor, W):
    b, g = instance_feature.shape[:2]
    anchor_xy = _safe_sigmoid(anchor[..., :2]).reshape(-1, 2)
    grid_size = 1.0 / jnp.asarray(FM, dtype=jnp.float32)
    indices = ((anchor_xy - anchor_xy.min(axis=0, keepdims=True)) / grid_size).astype(jnp.int32)
    batch_idx = jnp.repeat(jnp.arange(b, dtype=jnp.int32), g)
    feats = instance_feature.reshape(b * g, -1).astype(jnp.float32)
    out = _subm_conv2d(feats, indices, batch_idx, W)
    out = out.reshape(b, g, -1)
    return out  # out_proj is Identity (use_out_proj=False)

if __name__ == "__main__":
    import jax
    _d = setup_inputs()
    print(jax.jit(kernel)(*tuple(_d.values())))

</pallas_src>

<mosaic_0001>
#map = affine_map<(d0, d1) -> (0, 0)>
#map1 = affine_map<(d0, d1) -> (0)>
module attributes {stable_mosaic.version = 14 : i64} {
  func.func @_out_body(%arg0: i32, %arg1: i32, %arg2: memref<69120x128xf32, #tpu.memory_space<hbm>>, %arg3: memref<32768xi32, #tpu.memory_space<hbm>>, %arg4: memref<32768x128xf32, #tpu.memory_space<hbm>>, %arg5: memref<1024xi32, #tpu.memory_space<vmem>>, %arg6: memref<128x128xf32, #tpu.memory_space<vmem>>, %arg7: memref<!tpu.dma_semaphore, #tpu.memory_space<semaphore_mem>>) attributes {dimension_semantics = [#tpu.dimension_semantics<core_parallel>, #tpu.dimension_semantics<subcore_parallel>], iteration_bounds = array<i64: 2, 16>, scalar_prefetch = 0 : i64, scratch_operands = 3 : i64, tpu.core_type = #tpu.core_type<sc_vector_subcore>, window_params = [{transform_indices = #map}, {transform_indices = #map1}, {transform_indices = #map}]} {
    %mul3A = arith.constant 2 : i32
    %mul3A_0 = arith.muli %arg1, %mul3A : i32
    %add3A = arith.addi %mul3A_0, %arg0 : i32
    %mul3A_1 = arith.constant 1024 : i32
    %mul3A_2 = arith.muli %add3A, %mul3A_1 : i32
    "tpu.region"() ({
      %run_scoped3A = tpu.sem_alloc : memref<!tpu.dma_semaphore, #tpu.memory_space<semaphore_mem>>
      %dma_start3A_113 = tpu.memref_slice %arg3[%mul3A_2] : memref<32768xi32, #tpu.memory_space<hbm>> -> memref<1024xi32, #tpu.memory_space<hbm>>
      %dma_start3A_114 = tpu.memref_slice %arg3[%mul3A_2] : memref<32768xi32, #tpu.memory_space<hbm>> -> memref<1024xi32, #tpu.memory_space<hbm>>
      tpu.enqueue_dma source(%dma_start3A_114 : memref<1024xi32, #tpu.memory_space<hbm>>) target(%arg5 : memref<1024xi32, #tpu.memory_space<vmem>>) target_semaphore(%run_scoped3A : memref<!tpu.dma_semaphore, #tpu.memory_space<semaphore_mem>>)
      %dma_wait3A_115 = tpu.memref_slice %arg3[%mul3A_2] : memref<32768xi32, #tpu.memory_space<hbm>> -> memref<1024xi32, #tpu.memory_space<hbm>>
      %dma_wait3A_116 = tpu.memref_slice %arg3[%mul3A_2] : memref<32768xi32, #tpu.memory_space<hbm>> -> memref<1024xi32, #tpu.memory_space<hbm>>
      tpu.wait_dma2 semaphore(%run_scoped3A : memref<!tpu.dma_semaphore, #tpu.memory_space<semaphore_mem>>) src(%dma_wait3A_116 : memref<1024xi32, #tpu.memory_space<hbm>>) dst(%arg5 : memref<1024xi32, #tpu.memory_space<vmem>>)
      tpu.yield
    }) : () -> ()
    %dma_start3A = arith.constant 0 : i32
    %dma_start3A_3 = tpu.memref_slice %arg5[%dma_start3A] : memref<1024xi32, #tpu.memory_space<vmem>> -> memref<128xi32, #tpu.memory_space<vmem>>
    %dma_start3A_4 = arith.constant 0 : i32
    %dma_start3A_5 = arith.constant 0 : i32
    %dma_start3A_6 = tpu.memref_slice %arg2[%dma_start3A_4, %dma_start3A_5] : memref<69120x128xf32, #tpu.memory_space<hbm>> -> memref<69120x128xf32, #tpu.memory_space<hbm>>
    tpu.enqueue_indirect_dma source(%dma_start3A_6 : memref<69120x128xf32, #tpu.memory_space<hbm>>) target(%arg6 : memref<128x128xf32, #tpu.memory_space<vmem>>) offsets(%dma_start3A_3 : memref<128xi32, #tpu.memory_space<vmem>>) semaphore(%arg7 : memref<!tpu.dma_semaphore, #tpu.memory_space<semaphore_mem>>)
    %dma_wait3A = arith.constant 0 : i32
    %dma_wait3A_7 = tpu.memref_slice %arg5[%dma_wait3A] : memref<1024xi32, #tpu.memory_space<vmem>> -> memref<128xi32, #tpu.memory_space<vmem>>
    %dma_wait3A_8 = arith.constant 0 : i32
    %dma_wait3A_9 = arith.constant 0 : i32
    %dma_wait3A_10 = tpu.memref_slice %arg2[%dma_wait3A_8, %dma_wait3A_9] : memref<69120x128xf32, #tpu.memory_space<hbm>> -> memref<69120x128xf32, #tpu.memory_space<hbm>>
    tpu.wait_indirect_dma semaphore(%arg7 : memref<!tpu.dma_semaphore, #tpu.memory_space<semaphore_mem>>) src(%dma_wait3A_10 : memref<69120x128xf32, #tpu.memory_space<hbm>>) dst(%arg6 : memref<128x128xf32, #tpu.memory_space<vmem>>)
    %mul3A_11 = arith.constant 1024 : i32
    %mul3A_12 = arith.muli %add3A, %mul3A_11 : i32
    %add3A_13 = arith.constant 0 : i32
    %add3A_14 = arith.addi %mul3A_12, %add3A_13 : i32
    "tpu.region"() ({
      %run_scoped3A = tpu.sem_alloc : memref<!tpu.dma_semaphore, #tpu.memory_space<semaphore_mem>>
      %dma_start3A_113 = arith.constant 0 : i32
      %dma_start3A_114 = tpu.memref_slice %arg4[%add3A_14, %dma_start3A_113] : memref<32768x128xf32, #tpu.memory_space<hbm>> -> memref<128x128xf32, #tpu.memory_space<hbm>>
      %dma_start3A_115 = arith.constant 0 : i32
      %dma_start3A_116 = tpu.memref_slice %arg4[%add3A_14, %dma_start3A_115] : memref<32768x128xf32, #tpu.memory_space<hbm>> -> memref<128x128xf32, #tpu.memory_space<hbm>>
      tpu.enqueue_dma source(%arg6 : memref<128x128xf32, #tpu.memory_space<vmem>>) target(%dma_start3A_116 : memref<128x128xf32, #tpu.memory_space<hbm>>) target_semaphore(%run_scoped3A : memref<!tpu.dma_semaphore, #tpu.memory_space<semaphore_mem>>)
      %dma_wait3A_117 = arith.constant 0 : i32
      %dma_wait3A_118 = tpu.memref_slice %arg4[%add3A_14, %dma_wait3A_117] : memref<32768x128xf32, #tpu.memory_space<hbm>> -> memref<128x128xf32, #tpu.memory_space<hbm>>
      %dma_wait3A_119 = arith.constant 0 : i32
      %dma_wait3A_120 = tpu.memref_slice %arg4[%add3A_14, %dma_wait3A_119] : memref<32768x128xf32, #tpu.memory_space<hbm>> -> memref<128x128xf32, #tpu.memory_space<hbm>>
      tpu.wait_dma2 semaphore(%run_scoped3A : memref<!tpu.dma_semaphore, #tpu.memory_space<semaphore_mem>>) src(%arg6 : memref<128x128xf32, #tpu.memory_space<vmem>>) dst(%dma_wait3A_120 : memref<128x128xf32, #tpu.memory_space<hbm>>)
      tpu.yield
    }) : () -> ()
    %dma_start3A_15 = arith.constant 128 : i32
    %dma_start3A_16 = tpu.memref_slice %arg5[%dma_start3A_15] : memref<1024xi32, #tpu.memory_space<vmem>> -> memref<128xi32, #tpu.memory_space<vmem>>
    %dma_start3A_17 = arith.constant 0 : i32
    %dma_start3A_18 = arith.constant 0 : i32
    %dma_start3A_19 = tpu.memref_slice %arg2[%dma_start3A_17, %dma_start3A_18] : memref<69120x128xf32, #tpu.memory_space<hbm>> -> memref<69120x128xf32, #tpu.memory_space<hbm>>
    tpu.enqueue_indirect_dma source(%dma_start3A_19 : memref<69120x128xf32, #tpu.memory_space<hbm>>) target(%arg6 : memref<128x128xf32, #tpu.memory_space<vmem>>) offsets(%dma_start3A_16 : memref<128xi32, #tpu.memory_space<vmem>>) semaphore(%arg7 : memref<!tpu.dma_semaphore, #tpu.memory_space<semaphore_mem>>)
    %dma_wait3A_20 = arith.constant 128 : i32
    %dma_wait3A_21 = tpu.memref_slice %arg5[%dma_wait3A_20] : memref<1024xi32, #tpu.memory_space<vmem>> -> memref<128xi32, #tpu.memory_space<vmem>>
    %dma_wait3A_22 = arith.constant 0 : i32
    %dma_wait3A_23 = arith.constant 0 : i32
    %dma_wait3A_24 = tpu.memref_slice %arg2[%dma_wait3A_22, %dma_wait3A_23] : memref<69120x128xf32, #tpu.memory_space<hbm>> -> memref<69120x128xf32, #tpu.memory_space<hbm>>
    tpu.wait_indirect_dma semaphore(%arg7 : memref<!tpu.dma_semaphore, #tpu.memory_space<semaphore_mem>>) src(%dma_wait3A_24 : memref<69120x128xf32, #tpu.memory_space<hbm>>) dst(%arg6 : memref<128x128xf32, #tpu.memory_space<vmem>>)
    %mul3A_25 = arith.constant 1024 : i32
    %mul3A_26 = arith.muli %add3A, %mul3A_25 : i32
    %add3A_27 = arith.constant 128 : i32
    %add3A_28 = arith.addi %mul3A_26, %add3A_27 : i32
    "tpu.region"() ({
      %run_scoped3A = tpu.sem_alloc : memref<!tpu.dma_semaphore, #tpu.memory_space<semaphore_mem>>
      %dma_start3A_113 = arith.constant 0 : i32
      %dma_start3A_114 = tpu.memref_slice %arg4[%add3A_28, %dma_start3A_113] : memref<32768x128xf32, #tpu.memory_space<hbm>> -> memref<128x128xf32, #tpu.memory_space<hbm>>
      %dma_start3A_115 = arith.constant 0 : i32
      %dma_start3A_116 = tpu.memref_slice %arg4[%add3A_28, %dma_start3A_115] : memref<32768x128xf32, #tpu.memory_space<hbm>> -> memref<128x128xf32, #tpu.memory_space<hbm>>
      tpu.enqueue_dma source(%arg6 : memref<128x128xf32, #tpu.memory_space<vmem>>) target(%dma_start3A_116 : memref<128x128xf32, #tpu.memory_space<hbm>>) target_semaphore(%run_scoped3A : memref<!tpu.dma_semaphore, #tpu.memory_space<semaphore_mem>>)
      %dma_wait3A_117 = arith.constant 0 : i32
      %dma_wait3A_118 = tpu.memref_slice %arg4[%add3A_28, %dma_wait3A_117] : memref<32768x128xf32, #tpu.memory_space<hbm>> -> memref<128x128xf32, #tpu.memory_space<hbm>>
      %dma_wait3A_119 = arith.constant 0 : i32
      %dma_wait3A_120 = tpu.memref_slice %arg4[%add3A_28, %dma_wait3A_119] : memref<32768x128xf32, #tpu.memory_space<hbm>> -> memref<128x128xf32, #tpu.memory_space<hbm>>
      tpu.wait_dma2 semaphore(%run_scoped3A : memref<!tpu.dma_semaphore, #tpu.memory_space<semaphore_mem>>) src(%arg6 : memref<128x128xf32, #tpu.memory_space<vmem>>) dst(%dma_wait3A_120 : memref<128x128xf32, #tpu.memory_space<hbm>>)
      tpu.yield
    }) : () -> ()
    %dma_start3A_29 = arith.constant 256 : i32
    %dma_start3A_30 = tpu.memref_slice %arg5[%dma_start3A_29] : memref<1024xi32, #tpu.memory_space<vmem>> -> memref<128xi32, #tpu.memory_space<vmem>>
    %dma_start3A_31 = arith.constant 0 : i32
    %dma_start3A_32 = arith.constant 0 : i32
    %dma_start3A_33 = tpu.memref_slice %arg2[%dma_start3A_31, %dma_start3A_32] : memref<69120x128xf32, #tpu.memory_space<hbm>> -> memref<69120x128xf32, #tpu.memory_space<hbm>>
    tpu.enqueue_indirect_dma source(%dma_start3A_33 : memref<69120x128xf32, #tpu.memory_space<hbm>>) target(%arg6 : memref<128x128xf32, #tpu.memory_space<vmem>>) offsets(%dma_start3A_30 : memref<128xi32, #tpu.memory_space<vmem>>) semaphore(%arg7 : memref<!tpu.dma_semaphore, #tpu.memory_space<semaphore_mem>>)
    %dma_wait3A_34 = arith.constant 256 : i32
    %dma_wait3A_35 = tpu.memref_slice %arg5[%dma_wait3A_34] : memref<1024xi32, #tpu.memory_space<vmem>> -> memref<128xi32, #tpu.memory_space<vmem>>
    %dma_wait3A_36 = arith.constant 0 : i32
    %dma_wait3A_37 = arith.constant 0 : i32
    %dma_wait3A_38 = tpu.memref_slice %arg2[%dma_wait3A_36, %dma_wait3A_37] : memref<69120x128xf32, #tpu.memory_space<hbm>> -> memref<69120x128xf32, #tpu.memory_space<hbm>>
    tpu.wait_indirect_dma semaphore(%arg7 : memref<!tpu.dma_semaphore, #tpu.memory_space<semaphore_mem>>) src(%dma_wait3A_38 : memref<69120x128xf32, #tpu.memory_space<hbm>>) dst(%arg6 : memref<128x128xf32, #tpu.memory_space<vmem>>)
    %mul3A_39 = arith.constant 1024 : i32
    %mul3A_40 = arith.muli %add3A, %mul3A_39 : i32
    %add3A_41 = arith.constant 256 : i32
    %add3A_42 = arith.addi %mul3A_40, %add3A_41 : i32
    "tpu.region"() ({
      %run_scoped3A = tpu.sem_alloc : memref<!tpu.dma_semaphore, #tpu.memory_space<semaphore_mem>>
      %dma_start3A_113 = arith.constant 0 : i32
      %dma_start3A_114 = tpu.memref_slice %arg4[%add3A_42, %dma_start3A_113] : memref<32768x128xf32, #tpu.memory_space<hbm>> -> memref<128x128xf32, #tpu.memory_space<hbm>>
      %dma_start3A_115 = arith.constant 0 : i32
      %dma_start3A_116 = tpu.memref_slice %arg4[%add3A_42, %dma_start3A_115] : memref<32768x128xf32, #tpu.memory_space<hbm>> -> memref<128x128xf32, #tpu.memory_space<hbm>>
      tpu.enqueue_dma source(%arg6 : memref<128x128xf32, #tpu.memory_space<vmem>>) target(%dma_start3A_116 : memref<128x128xf32, #tpu.memory_space<hbm>>) target_semaphore(%run_scoped3A : memref<!tpu.dma_semaphore, #tpu.memory_space<semaphore_mem>>)
      %dma_wait3A_117 = arith.constant 0 : i32
      %dma_wait3A_118 = tpu.memref_slice %arg4[%add3A_42, %dma_wait3A_117] : memref<32768x128xf32, #tpu.memory_space<hbm>> -> memref<128x128xf32, #tpu.memory_space<hbm>>
      %dma_wait3A_119 = arith.constant 0 : i32
      %dma_wait3A_120 = tpu.memref_slice %arg4[%add3A_42, %dma_wait3A_119] : memref<32768x128xf32, #tpu.memory_space<hbm>> -> memref<128x128xf32, #tpu.memory_space<hbm>>
      tpu.wait_dma2 semaphore(%run_scoped3A : memref<!tpu.dma_semaphore, #tpu.memory_space<semaphore_mem>>) src(%arg6 : memref<128x128xf32, #tpu.memory_space<vmem>>) dst(%dma_wait3A_120 : memref<128x128xf32, #tpu.memory_space<hbm>>)
      tpu.yield
    }) : () -> ()
    %dma_start3A_43 = arith.constant 384 : i32
    %dma_start3A_44 = tpu.memref_slice %arg5[%dma_start3A_43] : memref<1024xi32, #tpu.memory_space<vmem>> -> memref<128xi32, #tpu.memory_space<vmem>>
    %dma_start3A_45 = arith.constant 0 : i32
    %dma_start3A_46 = arith.constant 0 : i32
    %dma_start3A_47 = tpu.memref_slice %arg2[%dma_start3A_45, %dma_start3A_46] : memref<69120x128xf32, #tpu.memory_space<hbm>> -> memref<69120x128xf32, #tpu.memory_space<hbm>>
    tpu.enqueue_indirect_dma source(%dma_start3A_47 : memref<69120x128xf32, #tpu.memory_space<hbm>>) target(%arg6 : memref<128x128xf32, #tpu.memory_space<vmem>>) offsets(%dma_start3A_44 : memref<128xi32, #tpu.memory_space<vmem>>) semaphore(%arg7 : memref<!tpu.dma_semaphore, #tpu.memory_space<semaphore_mem>>)
    %dma_wait3A_48 = arith.constant 384 : i32
    %dma_wait3A_49 = tpu.memref_slice %arg5[%dma_wait3A_48] : memref<1024xi32, #tpu.memory_space<vmem>> -> memref<128xi32, #tpu.memory_space<vmem>>
    %dma_wait3A_50 = arith.constant 0 : i32
    %dma_wait3A_51 = arith.constant 0 : i32
    %dma_wait3A_52 = tpu.memref_slice %arg2[%dma_wait3A_50, %dma_wait3A_51] : memref<69120x128xf32, #tpu.memory_space<hbm>> -> memref<69120x128xf32, #tpu.memory_space<hbm>>
    tpu.wait_indirect_dma semaphore(%arg7 : memref<!tpu.dma_semaphore, #tpu.memory_space<semaphore_mem>>) src(%dma_wait3A_52 : memref<69120x128xf32, #tpu.memory_space<hbm>>) dst(%arg6 : memref<128x128xf32, #tpu.memory_space<vmem>>)
    %mul3A_53 = arith.constant 1024 : i32
    %mul3A_54 = arith.muli %add3A, %mul3A_53 : i32
    %add3A_55 = arith.constant 384 : i32
    %add3A_56 = arith.addi %mul3A_54, %add3A_55 : i32
    "tpu.region"() ({
      %run_scoped3A = tpu.sem_alloc : memref<!tpu.dma_semaphore, #tpu.memory_space<semaphore_mem>>
      %dma_start3A_113 = arith.constant 0 : i32
      %dma_start3A_114 = tpu.memref_slice %arg4[%add3A_56, %dma_start3A_113] : memref<32768x128xf32, #tpu.memory_space<hbm>> -> memref<128x128xf32, #tpu.memory_space<hbm>>
      %dma_start3A_115 = arith.constant 0 : i32
      %dma_start3A_116 = tpu.memref_slice %arg4[%add3A_56, %dma_start3A_115] : memref<32768x128xf32, #tpu.memory_space<hbm>> -> memref<128x128xf32, #tpu.memory_space<hbm>>
      tpu.enqueue_dma source(%arg6 : memref<128x128xf32, #tpu.memory_space<vmem>>) target(%dma_start3A_116 : memref<128x128xf32, #tpu.memory_space<hbm>>) target_semaphore(%run_scoped3A : memref<!tpu.dma_semaphore, #tpu.memory_space<semaphore_mem>>)
      %dma_wait3A_117 = arith.constant 0 : i32
      %dma_wait3A_118 = tpu.memref_slice %arg4[%add3A_56, %dma_wait3A_117] : memref<32768x128xf32, #tpu.memory_space<hbm>> -> memref<128x128xf32, #tpu.memory_space<hbm>>
      %dma_wait3A_119 = arith.constant 0 : i32
      %dma_wait3A_120 = tpu.memref_slice %arg4[%add3A_56, %dma_wait3A_119] : memref<32768x128xf32, #tpu.memory_space<hbm>> -> memref<128x128xf32, #tpu.memory_space<hbm>>
      tpu.wait_dma2 semaphore(%run_scoped3A : memref<!tpu.dma_semaphore, #tpu.memory_space<semaphore_mem>>) src(%arg6 : memref<128x128xf32, #tpu.memory_space<vmem>>) dst(%dma_wait3A_120 : memref<128x128xf32, #tpu.memory_space<hbm>>)
      tpu.yield
    }) : () -> ()
    %dma_start3A_57 = arith.constant 512 : i32
    %dma_start3A_58 = tpu.memref_slice %arg5[%dma_start3A_57] : memref<1024xi32, #tpu.memory_space<vmem>> -> memref<128xi32, #tpu.memory_space<vmem>>
    %dma_start3A_59 = arith.constant 0 : i32
    %dma_start3A_60 = arith.constant 0 : i32
    %dma_start3A_61 = tpu.memref_slice %arg2[%dma_start3A_59, %dma_start3A_60] : memref<69120x128xf32, #tpu.memory_space<hbm>> -> memref<69120x128xf32, #tpu.memory_space<hbm>>
    tpu.enqueue_indirect_dma source(%dma_start3A_61 : memref<69120x128xf32, #tpu.memory_space<hbm>>) target(%arg6 : memref<128x128xf32, #tpu.memory_space<vmem>>) offsets(%dma_start3A_58 : memref<128xi32, #tpu.memory_space<vmem>>) semaphore(%arg7 : memref<!tpu.dma_semaphore, #tpu.memory_space<semaphore_mem>>)
    %dma_wait3A_62 = arith.constant 512 : i32
    %dma_wait3A_63 = tpu.memref_slice %arg5[%dma_wait3A_62] : memref<1024xi32, #tpu.memory_space<vmem>> -> memref<128xi32, #tpu.memory_space<vmem>>
    %dma_wait3A_64 = arith.constant 0 : i32
    %dma_wait3A_65 = arith.constant 0 : i32
    %dma_wait3A_66 = tpu.memref_slice %arg2[%dma_wait3A_64, %dma_wait3A_65] : memref<69120x128xf32, #tpu.memory_space<hbm>> -> memref<69120x128xf32, #tpu.memory_space<hbm>>
    tpu.wait_indirect_dma semaphore(%arg7 : memref<!tpu.dma_semaphore, #tpu.memory_space<semaphore_mem>>) src(%dma_wait3A_66 : memref<69120x128xf32, #tpu.memory_space<hbm>>) dst(%arg6 : memref<128x128xf32, #tpu.memory_space<vmem>>)
    %mul3A_67 = arith.constant 1024 : i32
    %mul3A_68 = arith.muli %add3A, %mul3A_67 : i32
    %add3A_69 = arith.constant 512 : i32
    %add3A_70 = arith.addi %mul3A_68, %add3A_69 : i32
    "tpu.region"() ({
      %run_scoped3A = tpu.sem_alloc : memref<!tpu.dma_semaphore, #tpu.memory_space<semaphore_mem>>
      %dma_start3A_113 = arith.constant 0 : i32
      %dma_start3A_114 = tpu.memref_slice %arg4[%add3A_70, %dma_start3A_113] : memref<32768x128xf32, #tpu.memory_space<hbm>> -> memref<128x128xf32, #tpu.memory_space<hbm>>
      %dma_start3A_115 = arith.constant 0 : i32
      %dma_start3A_116 = tpu.memref_slice %arg4[%add3A_70, %dma_start3A_115] : memref<32768x128xf32, #tpu.memory_space<hbm>> -> memref<128x128xf32, #tpu.memory_space<hbm>>
      tpu.enqueue_dma source(%arg6 : memref<128x128xf32, #tpu.memory_space<vmem>>) target(%dma_start3A_116 : memref<128x128xf32, #tpu.memory_space<hbm>>) target_semaphore(%run_scoped3A : memref<!tpu.dma_semaphore, #tpu.memory_space<semaphore_mem>>)
      %dma_wait3A_117 = arith.constant 0 : i32
      %dma_wait3A_118 = tpu.memref_slice %arg4[%add3A_70, %dma_wait3A_117] : memref<32768x128xf32, #tpu.memory_space<hbm>> -> memref<128x128xf32, #tpu.memory_space<hbm>>
      %dma_wait3A_119 = arith.constant 0 : i32
      %dma_wait3A_120 = tpu.memref_slice %arg4[%add3A_70, %dma_wait3A_119] : memref<32768x128xf32, #tpu.memory_space<hbm>> -> memref<128x128xf32, #tpu.memory_space<hbm>>
      tpu.wait_dma2 semaphore(%run_scoped3A : memref<!tpu.dma_semaphore, #tpu.memory_space<semaphore_mem>>) src(%arg6 : memref<128x128xf32, #tpu.memory_space<vmem>>) dst(%dma_wait3A_120 : memref<128x128xf32, #tpu.memory_space<hbm>>)
      tpu.yield
    }) : () -> ()
    %dma_start3A_71 = arith.constant 640 : i32
    %dma_start3A_72 = tpu.memref_slice %arg5[%dma_start3A_71] : memref<1024xi32, #tpu.memory_space<vmem>> -> memref<128xi32, #tpu.memory_space<vmem>>
    %dma_start3A_73 = arith.constant 0 : i32
    %dma_start3A_74 = arith.constant 0 : i32
    %dma_start3A_75 = tpu.memref_slice %arg2[%dma_start3A_73, %dma_start3A_74] : memref<69120x128xf32, #tpu.memory_space<hbm>> -> memref<69120x128xf32, #tpu.memory_space<hbm>>
    tpu.enqueue_indirect_dma source(%dma_start3A_75 : memref<69120x128xf32, #tpu.memory_space<hbm>>) target(%arg6 : memref<128x128xf32, #tpu.memory_space<vmem>>) offsets(%dma_start3A_72 : memref<128xi32, #tpu.memory_space<vmem>>) semaphore(%arg7 : memref<!tpu.dma_semaphore, #tpu.memory_space<semaphore_mem>>)
    %dma_wait3A_76 = arith.constant 640 : i32
    %dma_wait3A_77 = tpu.memref_slice %arg5[%dma_wait3A_76] : memref<1024xi32, #tpu.memory_space<vmem>> -> memref<128xi32, #tpu.memory_space<vmem>>
    %dma_wait3A_78 = arith.constant 0 : i32
    %dma_wait3A_79 = arith.constant 0 : i32
    %dma_wait3A_80 = tpu.memref_slice %arg2[%dma_wait3A_78, %dma_wait3A_79] : memref<69120x128xf32, #tpu.memory_space<hbm>> -> memref<69120x128xf32, #tpu.memory_space<hbm>>
    tpu.wait_indirect_dma semaphore(%arg7 : memref<!tpu.dma_semaphore, #tpu.memory_space<semaphore_mem>>) src(%dma_wait3A_80 : memref<69120x128xf32, #tpu.memory_space<hbm>>) dst(%arg6 : memref<128x128xf32, #tpu.memory_space<vmem>>)
    %mul3A_81 = arith.constant 1024 : i32
    %mul3A_82 = arith.muli %add3A, %mul3A_81 : i32
    %add3A_83 = arith.constant 640 : i32
    %add3A_84 = arith.addi %mul3A_82, %add3A_83 : i32
    "tpu.region"() ({
      %run_scoped3A = tpu.sem_alloc : memref<!tpu.dma_semaphore, #tpu.memory_space<semaphore_mem>>
      %dma_start3A_113 = arith.constant 0 : i32
      %dma_start3A_114 = tpu.memref_slice %arg4[%add3A_84, %dma_start3A_113] : memref<32768x128xf32, #tpu.memory_space<hbm>> -> memref<128x128xf32, #tpu.memory_space<hbm>>
      %dma_start3A_115 = arith.constant 0 : i32
      %dma_start3A_116 = tpu.memref_slice %arg4[%add3A_84, %dma_start3A_115] : memref<32768x128xf32, #tpu.memory_space<hbm>> -> memref<128x128xf32, #tpu.memory_space<hbm>>
      tpu.enqueue_dma source(%arg6 : memref<128x128xf32, #tpu.memory_space<vmem>>) target(%dma_start3A_116 : memref<128x128xf32, #tpu.memory_space<hbm>>) target_semaphore(%run_scoped3A : memref<!tpu.dma_semaphore, #tpu.memory_space<semaphore_mem>>)
      %dma_wait3A_117 = arith.constant 0 : i32
      %dma_wait3A_118 = tpu.memref_slice %arg4[%add3A_84, %dma_wait3A_117] : memref<32768x128xf32, #tpu.memory_space<hbm>> -> memref<128x128xf32, #tpu.memory_space<hbm>>
      %dma_wait3A_119 = arith.constant 0 : i32
      %dma_wait3A_120 = tpu.memref_slice %arg4[%add3A_84, %dma_wait3A_119] : memref<32768x128xf32, #tpu.memory_space<hbm>> -> memref<128x128xf32, #tpu.memory_space<hbm>>
      tpu.wait_dma2 semaphore(%run_scoped3A : memref<!tpu.dma_semaphore, #tpu.memory_space<semaphore_mem>>) src(%arg6 : memref<128x128xf32, #tpu.memory_space<vmem>>) dst(%dma_wait3A_120 : memref<128x128xf32, #tpu.memory_space<hbm>>)
      tpu.yield
    }) : () -> ()
    %dma_start3A_85 = arith.constant 768 : i32
    %dma_start3A_86 = tpu.memref_slice %arg5[%dma_start3A_85] : memref<1024xi32, #tpu.memory_space<vmem>> -> memref<128xi32, #tpu.memory_space<vmem>>
    %dma_start3A_87 = arith.constant 0 : i32
    %dma_start3A_88 = arith.constant 0 : i32
    %dma_start3A_89 = tpu.memref_slice %arg2[%dma_start3A_87, %dma_start3A_88] : memref<69120x128xf32, #tpu.memory_space<hbm>> -> memref<69120x128xf32, #tpu.memory_space<hbm>>
    tpu.enqueue_indirect_dma source(%dma_start3A_89 : memref<69120x128xf32, #tpu.memory_space<hbm>>) target(%arg6 : memref<128x128xf32, #tpu.memory_space<vmem>>) offsets(%dma_start3A_86 : memref<128xi32, #tpu.memory_space<vmem>>) semaphore(%arg7 : memref<!tpu.dma_semaphore, #tpu.memory_space<semaphore_mem>>)
    %dma_wait3A_90 = arith.constant 768 : i32
    %dma_wait3A_91 = tpu.memref_slice %arg5[%dma_wait3A_90] : memref<1024xi32, #tpu.memory_space<vmem>> -> memref<128xi32, #tpu.memory_space<vmem>>
    %dma_wait3A_92 = arith.constant 0 : i32
    %dma_wait3A_93 = arith.constant 0 : i32
    %dma_wait3A_94 = tpu.memref_slice %arg2[%dma_wait3A_92, %dma_wait3A_93] : memref<69120x128xf32, #tpu.memory_space<hbm>> -> memref<69120x128xf32, #tpu.memory_space<hbm>>
    tpu.wait_indirect_dma semaphore(%arg7 : memref<!tpu.dma_semaphore, #tpu.memory_space<semaphore_mem>>) src(%dma_wait3A_94 : memref<69120x128xf32, #tpu.memory_space<hbm>>) dst(%arg6 : memref<128x128xf32, #tpu.memory_space<vmem>>)
    %mul3A_95 = arith.constant 1024 : i32
    %mul3A_96 = arith.muli %add3A, %mul3A_95 : i32
    %add3A_97 = arith.constant 768 : i32
    %add3A_98 = arith.addi %mul3A_96, %add3A_97 : i32
    "tpu.region"() ({
      %run_scoped3A = tpu.sem_alloc : memref<!tpu.dma_semaphore, #tpu.memory_space<semaphore_mem>>
      %dma_start3A_113 = arith.constant 0 : i32
      %dma_start3A_114 = tpu.memref_slice %arg4[%add3A_98, %dma_start3A_113] : memref<32768x128xf32, #tpu.memory_space<hbm>> -> memref<128x128xf32, #tpu.memory_space<hbm>>
      %dma_start3A_115 = arith.constant 0 : i32
      %dma_start3A_116 = tpu.memref_slice %arg4[%add3A_98, %dma_start3A_115] : memref<32768x128xf32, #tpu.memory_space<hbm>> -> memref<128x128xf32, #tpu.memory_space<hbm>>
      tpu.enqueue_dma source(%arg6 : memref<128x128xf32, #tpu.memory_space<vmem>>) target(%dma_start3A_116 : memref<128x128xf32, #tpu.memory_space<hbm>>) target_semaphore(%run_scoped3A : memref<!tpu.dma_semaphore, #tpu.memory_space<semaphore_mem>>)
      %dma_wait3A_117 = arith.constant 0 : i32
      %dma_wait3A_118 = tpu.memref_slice %arg4[%add3A_98, %dma_wait3A_117] : memref<32768x128xf32, #tpu.memory_space<hbm>> -> memref<128x128xf32, #tpu.memory_space<hbm>>
      %dma_wait3A_119 = arith.constant 0 : i32
      %dma_wait3A_120 = tpu.memref_slice %arg4[%add3A_98, %dma_wait3A_119] : memref<32768x128xf32, #tpu.memory_space<hbm>> -> memref<128x128xf32, #tpu.memory_space<hbm>>
      tpu.wait_dma2 semaphore(%run_scoped3A : memref<!tpu.dma_semaphore, #tpu.memory_space<semaphore_mem>>) src(%arg6 : memref<128x128xf32, #tpu.memory_space<vmem>>) dst(%dma_wait3A_120 : memref<128x128xf32, #tpu.memory_space<hbm>>)
      tpu.yield
    }) : () -> ()
    %dma_start3A_99 = arith.constant 896 : i32
    %dma_start3A_100 = tpu.memref_slice %arg5[%dma_start3A_99] : memref<1024xi32, #tpu.memory_space<vmem>> -> memref<128xi32, #tpu.memory_space<vmem>>
    %dma_start3A_101 = arith.constant 0 : i32
    %dma_start3A_102 = arith.constant 0 : i32
    %dma_start3A_103 = tpu.memref_slice %arg2[%dma_start3A_101, %dma_start3A_102] : memref<69120x128xf32, #tpu.memory_space<hbm>> -> memref<69120x128xf32, #tpu.memory_space<hbm>>
    tpu.enqueue_indirect_dma source(%dma_start3A_103 : memref<69120x128xf32, #tpu.memory_space<hbm>>) target(%arg6 : memref<128x128xf32, #tpu.memory_space<vmem>>) offsets(%dma_start3A_100 : memref<128xi32, #tpu.memory_space<vmem>>) semaphore(%arg7 : memref<!tpu.dma_semaphore, #tpu.memory_space<semaphore_mem>>)
    %dma_wait3A_104 = arith.constant 896 : i32
    %dma_wait3A_105 = tpu.memref_slice %arg5[%dma_wait3A_104] : memref<1024xi32, #tpu.memory_space<vmem>> -> memref<128xi32, #tpu.memory_space<vmem>>
    %dma_wait3A_106 = arith.constant 0 : i32
    %dma_wait3A_107 = arith.constant 0 : i32
    %dma_wait3A_108 = tpu.memref_slice %arg2[%dma_wait3A_106, %dma_wait3A_107] : memref<69120x128xf32, #tpu.memory_space<hbm>> -> memref<69120x128xf32, #tpu.memory_space<hbm>>
    tpu.wait_indirect_dma semaphore(%arg7 : memref<!tpu.dma_semaphore, #tpu.memory_space<semaphore_mem>>) src(%dma_wait3A_108 : memref<69120x128xf32, #tpu.memory_space<hbm>>) dst(%arg6 : memref<128x128xf32, #tpu.memory_space<vmem>>)
    %mul3A_109 = arith.constant 1024 : i32
    %mul3A_110 = arith.muli %add3A, %mul3A_109 : i32
    %add3A_111 = arith.constant 896 : i32
    %add3A_112 = arith.addi %mul3A_110, %add3A_111 : i32
    "tpu.region"() ({
      %run_scoped3A = tpu.sem_alloc : memref<!tpu.dma_semaphore, #tpu.memory_space<semaphore_mem>>
      %dma_start3A_113 = arith.constant 0 : i32
      %dma_start3A_114 = tpu.memref_slice %arg4[%add3A_112, %dma_start3A_113] : memref<32768x128xf32, #tpu.memory_space<hbm>> -> memref<128x128xf32, #tpu.memory_space<hbm>>
      %dma_start3A_115 = arith.constant 0 : i32
      %dma_start3A_116 = tpu.memref_slice %arg4[%add3A_112, %dma_start3A_115] : memref<32768x128xf32, #tpu.memory_space<hbm>> -> memref<128x128xf32, #tpu.memory_space<hbm>>
      tpu.enqueue_dma source(%arg6 : memref<128x128xf32, #tpu.memory_space<vmem>>) target(%dma_start3A_116 : memref<128x128xf32, #tpu.memory_space<hbm>>) target_semaphore(%run_scoped3A : memref<!tpu.dma_semaphore, #tpu.memory_space<semaphore_mem>>)
      %dma_wait3A_117 = arith.constant 0 : i32
      %dma_wait3A_118 = tpu.memref_slice %arg4[%add3A_112, %dma_wait3A_117] : memref<32768x128xf32, #tpu.memory_space<hbm>> -> memref<128x128xf32, #tpu.memory_space<hbm>>
      %dma_wait3A_119 = arith.constant 0 : i32
      %dma_wait3A_120 = tpu.memref_slice %arg4[%add3A_112, %dma_wait3A_119] : memref<32768x128xf32, #tpu.memory_space<hbm>> -> memref<128x128xf32, #tpu.memory_space<hbm>>
      tpu.wait_dma2 semaphore(%run_scoped3A : memref<!tpu.dma_semaphore, #tpu.memory_space<semaphore_mem>>) src(%arg6 : memref<128x128xf32, #tpu.memory_space<vmem>>) dst(%dma_wait3A_120 : memref<128x128xf32, #tpu.memory_space<hbm>>)
      tpu.yield
    }) : () -> ()
    return
  }
}

#map = affine_map<(d0, d1) -> (0)>
#map1 = affine_map<(d0, d1) -> (0, 0)>
module attributes {stable_mosaic.version = 14 : i64} {
  func.func @_grid_body(%arg0: i32, %arg1: i32, %arg2: memref<32768xi32, #tpu.memory_space<hbm>>, %arg3: memref<32832x128xf32, #tpu.memory_space<hbm>>, %arg4: memref<69632x128xf32, #tpu.memory_space<hbm>>, %arg5: memref<32768xi32, #tpu.memory_space<vmem>>, %arg6: memref<2176xi32, #tpu.memory_space<vmem>>, %arg7: memref<128x128xf32, #tpu.memory_space<vmem>>, %arg8: memref<!tpu.dma_semaphore, #tpu.memory_space<semaphore_mem>>) attributes {dimension_semantics = [#tpu.dimension_semantics<core_parallel>, #tpu.dimension_semantics<subcore_parallel>], iteration_bounds = array<i64: 2, 16>, scalar_prefetch = 0 : i64, scratch_operands = 4 : i64, tpu.core_type = #tpu.core_type<sc_vector_subcore>, window_params = [{transform_indices = #map}, {transform_indices = #map1}, {transform_indices = #map1}]} {
    %mul3A = arith.constant 2 : i32
    %mul3A_0 = arith.muli %arg1, %mul3A : i32
    %add3A = arith.addi %mul3A_0, %arg0 : i32
    %mul3A_1 = arith.constant 2176 : i32
    %mul3A_2 = arith.muli %add3A, %mul3A_1 : i32
    "tpu.region"() ({
      %run_scoped3A = tpu.sem_alloc : memref<!tpu.dma_semaphore, #tpu.memory_space<semaphore_mem>>
      tpu.enqueue_dma source(%arg2 : memref<32768xi32, #tpu.memory_space<hbm>>) target(%arg5 : memref<32768xi32, #tpu.memory_space<vmem>>) target_semaphore(%run_scoped3A : memref<!tpu.dma_semaphore, #tpu.memory_space<semaphore_mem>>)
      tpu.wait_dma2 semaphore(%run_scoped3A : memref<!tpu.dma_semaphore, #tpu.memory_space<semaphore_mem>>) src(%arg2 : memref<32768xi32, #tpu.memory_space<hbm>>) dst(%arg5 : memref<32768xi32, #tpu.memory_space<vmem>>)
      tpu.yield
    }) : () -> ()
    %iota3A = tpu.iota {dimensions = array<i32: 0>} : vector<16xi32>
    %scan3A = arith.constant 0 : i32
    %scan3A_3 = arith.constant 0 : i32
    %scan3A_4 = arith.constant 136 : i32
    %scan3A_5 = arith.addi %scan3A_3, %scan3A_4 : i32
    %scan3A_6 = arith.constant 1 : i32
    scf.for %scan3A_216 = %scan3A_3 to %scan3A_5 step %scan3A_6  : i32 {
      %mul3A_217 = arith.constant 16 : i32
      %mul3A_218 = arith.muli %scan3A_216, %mul3A_217 : i32
      %add3A_219 = vector.broadcast %mul3A_218 : i32 to vector<16xi32>
      %add3A_220 = arith.addi %add3A_219, %iota3A : vector<16xi32>
      %add3A_221 = vector.broadcast %mul3A_2 : i32 to vector<16xi32>
      %add3A_222 = arith.addi %add3A_221, %add3A_220 : vector<16xi32>
      %and3A = arith.constant 63 : i32
      %and3A_223 = vector.broadcast %and3A : i32 to vector<16xi32>
      %and3A_224 = arith.andi %add3A_222, %and3A_223 : vector<16xi32>
      %add3A_225 = arith.constant 32768 : i32
      %add3A_226 = vector.broadcast %add3A_225 : i32 to vector<16xi32>
      %add3A_227 = arith.addi %add3A_226, %and3A_224 : vector<16xi32>
      tpu.vector_store_idx %arg6[%add3A_220], %add3A_227 : memref<2176xi32, #tpu.memory_space<vmem>>[vector<16xi32>], vector<16xi32>,
    }
    %scan3A_7 = arith.constant 136 : i32
    %scan3A_8 = arith.constant 0 : i32
    %scan3A_9 = arith.constant 0 : i32
    %scan3A_10 = arith.constant 2048 : i32
    %scan3A_11 = arith.addi %scan3A_9, %scan3A_10 : i32
    %scan3A_12 = arith.constant 1 : i32
    scf.for %scan3A_216 = %scan3A_9 to %scan3A_11 step %scan3A_12  : i32 {
      %mul3A_217 = arith.constant 16 : i32
      %mul3A_218 = arith.muli %scan3A_216, %mul3A_217 : i32
      %get3A = arith.index_cast %mul3A_218 : i32 to index
      %get3A_219 = tpu.vector_load %arg5[%get3A] {strides = array<i32>} : memref<32768xi32, #tpu.memory_space<vmem>>, vector<16xi32>,
      %sub3A = arith.constant 132 : i32
      %sub3A_220 = arith.subi %sub3A, %mul3A_2 : i32
      %add3A_221 = vector.broadcast %sub3A_220 : i32 to vector<16xi32>
      %add3A_222 = arith.addi %get3A_219, %add3A_221 : vector<16xi32>
      %ge3A = arith.constant 0 : i32
      %ge3A_223 = vector.broadcast %ge3A : i32 to vector<16xi32>
      %ge3A_224 = arith.cmpi sge, %add3A_222, %ge3A_223 : vector<16xi32>
      %lt3A = arith.constant 2176 : i32
      %lt3A_225 = vector.broadcast %lt3A : i32 to vector<16xi32>
      %lt3A_226 = arith.cmpi slt, %add3A_222, %lt3A_225 : vector<16xi32>
      %and3A = arith.andi %ge3A_224, %lt3A_226 : vector<16xi1>
      %jit3A = arith.constant 0 : i32
      %broadcast_in_dim3A = vector.broadcast %jit3A : i32 to vector<16xi32>
      %select_n3A = arith.select %and3A, %add3A_222, %broadcast_in_dim3A : vector<16xi1>, vector<16xi32>
      %mul3A_227 = arith.constant 16 : i32
      %mul3A_228 = arith.muli %scan3A_216, %mul3A_227 : i32
      %add3A_229 = vector.broadcast %mul3A_228 : i32 to vector<16xi32>
      %add3A_230 = arith.addi %add3A_229, %iota3A : vector<16xi32>
      tpu.vector_store_idx %arg6[%select_n3A], %add3A_230 masked %and3A : memref<2176xi32, #tpu.memory_space<vmem>>[vector<16xi32>], vector<16xi32>, vector<16xi1>
    }
    %scan3A_13 = arith.constant 2048 : i32
    %dma_start3A = arith.constant 0 : i32
    %dma_start3A_14 = tpu.memref_slice %arg6[%dma_start3A] : memref<2176xi32, #tpu.memory_space<vmem>> -> memref<128xi32, #tpu.memory_space<vmem>>
    %dma_start3A_15 = arith.constant 0 : i32
    %dma_start3A_16 = arith.constant 0 : i32
    %dma_start3A_17 = tpu.memref_slice %arg3[%dma_start3A_15, %dma_start3A_16] : memref<32832x128xf32, #tpu.memory_space<hbm>> -> memref<32832x128xf32, #tpu.memory_space<hbm>>
    tpu.enqueue_indirect_dma source(%dma_start3A_17 : memref<32832x128xf32, #tpu.memory_space<hbm>>) target(%arg7 : memref<128x128xf32, #tpu.memory_space<vmem>>) offsets(%dma_start3A_14 : memref<128xi32, #tpu.memory_space<vmem>>) semaphore(%arg8 : memref<!tpu.dma_semaphore, #tpu.memory_space<semaphore_mem>>)
    %dma_wait3A = arith.constant 0 : i32
    %dma_wait3A_18 = tpu.memref_slice %arg6[%dma_wait3A] : memref<2176xi32, #tpu.memory_space<vmem>> -> memref<128xi32, #tpu.memory_space<vmem>>
    %dma_wait3A_19 = arith.constant 0 : i32
    %dma_wait3A_20 = arith.constant 0 : i32
    %dma_wait3A_21 = tpu.memref_slice %arg3[%dma_wait3A_19, %dma_wait3A_20] : memref<32832x128xf32, #tpu.memory_space<hbm>> -> memref<32832x128xf32, #tpu.memory_space<hbm>>
    tpu.wait_indirect_dma semaphore(%arg8 : memref<!tpu.dma_semaphore, #tpu.memory_space<semaphore_mem>>) src(%dma_wait3A_21 : memref<32832x128xf32, #tpu.memory_space<hbm>>) dst(%arg7 : memref<128x128xf32, #tpu.memory_space<vmem>>)
    %add3A_22 = arith.constant 0 : i32
    %add3A_23 = arith.addi %mul3A_2, %add3A_22 : i32
    "tpu.region"() ({
      %run_scoped3A = tpu.sem_alloc : memref<!tpu.dma_semaphore, #tpu.memory_space<semaphore_mem>>
      %dma_start3A_216 = arith.constant 0 : i32
      %dma_start3A_217 = tpu.memref_slice %arg4[%add3A_23, %dma_start3A_216] : memref<69632x128xf32, #tpu.memory_space<hbm>> -> memref<128x128xf32, #tpu.memory_space<hbm>>
      %dma_start3A_218 = arith.constant 0 : i32
      %dma_start3A_219 = tpu.memref_slice %arg4[%add3A_23, %dma_start3A_218] : memref<69632x128xf32, #tpu.memory_space<hbm>> -> memref<128x128xf32, #tpu.memory_space<hbm>>
      tpu.enqueue_dma source(%arg7 : memref<128x128xf32, #tpu.memory_space<vmem>>) target(%dma_start3A_219 : memref<128x128xf32, #tpu.memory_space<hbm>>) target_semaphore(%run_scoped3A : memref<!tpu.dma_semaphore, #tpu.memory_space<semaphore_mem>>)
      %dma_wait3A_220 = arith.constant 0 : i32
      %dma_wait3A_221 = tpu.memref_slice %arg4[%add3A_23, %dma_wait3A_220] : memref<69632x128xf32, #tpu.memory_space<hbm>> -> memref<128x128xf32, #tpu.memory_space<hbm>>
      %dma_wait3A_222 = arith.constant 0 : i32
      %dma_wait3A_223 = tpu.memref_slice %arg4[%add3A_23, %dma_wait3A_222] : memref<69632x128xf32, #tpu.memory_space<hbm>> -> memref<128x128xf32, #tpu.memory_space<hbm>>
      tpu.wait_dma2 semaphore(%run_scoped3A : memref<!tpu.dma_semaphore, #tpu.memory_space<semaphore_mem>>) src(%arg7 : memref<128x128xf32, #tpu.memory_space<vmem>>) dst(%dma_wait3A_223 : memref<128x128xf32, #tpu.memory_space<hbm>>)
      tpu.yield
    }) : () -> ()
    %dma_start3A_24 = arith.constant 128 : i32
    %dma_start3A_25 = tpu.memref_slice %arg6[%dma_start3A_24] : memref<2176xi32, #tpu.memory_space<vmem>> -> memref<128xi32, #tpu.memory_space<vmem>>
    %dma_start3A_26 = arith.constant 0 : i32
    %dma_start3A_27 = arith.constant 0 : i32
    %dma_start3A_28 = tpu.memref_slice %arg3[%dma_start3A_26, %dma_start3A_27] : memref<32832x128xf32, #tpu.memory_space<hbm>> -> memref<32832x128xf32, #tpu.memory_space<hbm>>
    tpu.enqueue_indirect_dma source(%dma_start3A_28 : memref<32832x128xf32, #tpu.memory_space<hbm>>) target(%arg7 : memref<128x128xf32, #tpu.memory_space<vmem>>) offsets(%dma_start3A_25 : memref<128xi32, #tpu.memory_space<vmem>>) semaphore(%arg8 : memref<!tpu.dma_semaphore, #tpu.memory_space<semaphore_mem>>)
    %dma_wait3A_29 = arith.constant 128 : i32
    %dma_wait3A_30 = tpu.memref_slice %arg6[%dma_wait3A_29] : memref<2176xi32, #tpu.memory_space<vmem>> -> memref<128xi32, #tpu.memory_space<vmem>>
    %dma_wait3A_31 = arith.constant 0 : i32
    %dma_wait3A_32 = arith.constant 0 : i32
    %dma_wait3A_33 = tpu.memref_slice %arg3[%dma_wait3A_31, %dma_wait3A_32] : memref<32832x128xf32, #tpu.memory_space<hbm>> -> memref<32832x128xf32, #tpu.memory_space<hbm>>
    tpu.wait_indirect_dma semaphore(%arg8 : memref<!tpu.dma_semaphore, #tpu.memory_space<semaphore_mem>>) src(%dma_wait3A_33 : memref<32832x128xf32, #tpu.memory_space<hbm>>) dst(%arg7 : memref<128x128xf32, #tpu.memory_space<vmem>>)
    %add3A_34 = arith.constant 128 : i32
    %add3A_35 = arith.addi %mul3A_2, %add3A_34 : i32
    "tpu.region"() ({
      %run_scoped3A = tpu.sem_alloc : memref<!tpu.dma_semaphore, #tpu.memory_space<semaphore_mem>>
      %dma_start3A_216 = arith.constant 0 : i32
      %dma_start3A_217 = tpu.memref_slice %arg4[%add3A_35, %dma_start3A_216] : memref<69632x128xf32, #tpu.memory_space<hbm>> -> memref<128x128xf32, #tpu.memory_space<hbm>>
      %dma_start3A_218 = arith.constant 0 : i32
      %dma_start3A_219 = tpu.memref_slice %arg4[%add3A_35, %dma_start3A_218] : memref<69632x128xf32, #tpu.memory_space<hbm>> -> memref<128x128xf32, #tpu.memory_space<hbm>>
      tpu.enqueue_dma source(%arg7 : memref<128x128xf32, #tpu.memory_space<vmem>>) target(%dma_start3A_219 : memref<128x128xf32, #tpu.memory_space<hbm>>) target_semaphore(%run_scoped3A : memref<!tpu.dma_semaphore, #tpu.memory_space<semaphore_mem>>)
      %dma_wait3A_220 = arith.constant 0 : i32
      %dma_wait3A_221 = tpu.memref_slice %arg4[%add3A_35, %dma_wait3A_220] : memref<69632x128xf32, #tpu.memory_space<hbm>> -> memref<128x128xf32, #tpu.memory_space<hbm>>
      %dma_wait3A_222 = arith.constant 0 : i32
      %dma_wait3A_223 = tpu.memref_slice %arg4[%add3A_35, %dma_wait3A_222] : memref<69632x128xf32, #tpu.memory_space<hbm>> -> memref<128x128xf32, #tpu.memory_space<hbm>>
      tpu.wait_dma2 semaphore(%run_scoped3A : memref<!tpu.dma_semaphore, #tpu.memory_space<semaphore_mem>>) src(%arg7 : memref<128x128xf32, #tpu.memory_space<vmem>>) dst(%dma_wait3A_223 : memref<128x128xf32, #tpu.memory_space<hbm>>)
      tpu.yield
    }) : () -> ()
    %dma_start3A_36 = arith.constant 256 : i32
    %dma_start3A_37 = tpu.memref_slice %arg6[%dma_start3A_36] : memref<2176xi32, #tpu.memory_space<vmem>> -> memref<128xi32, #tpu.memory_space<vmem>>
    %dma_start3A_38 = arith.constant 0 : i32
    %dma_start3A_39 = arith.constant 0 : i32
    %dma_start3A_40 = tpu.memref_slice %arg3[%dma_start3A_38, %dma_start3A_39] : memref<32832x128xf32, #tpu.memory_space<hbm>> -> memref<32832x128xf32, #tpu.memory_space<hbm>>
    tpu.enqueue_indirect_dma source(%dma_start3A_40 : memref<32832x128xf32, #tpu.memory_space<hbm>>) target(%arg7 : memref<128x128xf32, #tpu.memory_space<vmem>>) offsets(%dma_start3A_37 : memref<128xi32, #tpu.memory_space<vmem>>) semaphore(%arg8 : memref<!tpu.dma_semaphore, #tpu.memory_space<semaphore_mem>>)
    %dma_wait3A_41 = arith.constant 256 : i32
    %dma_wait3A_42 = tpu.memref_slice %arg6[%dma_wait3A_41] : memref<2176xi32, #tpu.memory_space<vmem>> -> memref<128xi32, #tpu.memory_space<vmem>>
    %dma_wait3A_43 = arith.constant 0 : i32
    %dma_wait3A_44 = arith.constant 0 : i32
    %dma_wait3A_45 = tpu.memref_slice %arg3[%dma_wait3A_43, %dma_wait3A_44] : memref<32832x128xf32, #tpu.memory_space<hbm>> -> memref<32832x128xf32, #tpu.memory_space<hbm>>
    tpu.wait_indirect_dma semaphore(%arg8 : memref<!tpu.dma_semaphore, #tpu.memory_space<semaphore_mem>>) src(%dma_wait3A_45 : memref<32832x128xf32, #tpu.memory_space<hbm>>) dst(%arg7 : memref<128x128xf32, #tpu.memory_space<vmem>>)
    %add3A_46 = arith.constant 256 : i32
    %add3A_47 = arith.addi %mul3A_2, %add3A_46 : i32
    "tpu.region"() ({
      %run_scoped3A = tpu.sem_alloc : memref<!tpu.dma_semaphore, #tpu.memory_space<semaphore_mem>>
      %dma_start3A_216 = arith.constant 0 : i32
      %dma_start3A_217 = tpu.memref_slice %arg4[%add3A_47, %dma_start3A_216] : memref<69632x128xf32, #tpu.memory_space<hbm>> -> memref<128x128xf32, #tpu.memory_space<hbm>>
      %dma_start3A_218 = arith.constant 0 : i32
      %dma_start3A_219 = tpu.memref_slice %arg4[%add3A_47, %dma_start3A_218] : memref<69632x128xf32, #tpu.memory_space<hbm>> -> memref<128x128xf32, #tpu.memory_space<hbm>>
      tpu.enqueue_dma source(%arg7 : memref<128x128xf32, #tpu.memory_space<vmem>>) target(%dma_start3A_219 : memref<128x128xf32, #tpu.memory_space<hbm>>) target_semaphore(%run_scoped3A : memref<!tpu.dma_semaphore, #tpu.memory_space<semaphore_mem>>)
      %dma_wait3A_220 = arith.constant 0 : i32
      %dma_wait3A_221 = tpu.memref_slice %arg4[%add3A_47, %dma_wait3A_220] : memref<69632x128xf32, #tpu.memory_space<hbm>> -> memref<128x128xf32, #tpu.memory_space<hbm>>
      %dma_wait3A_222 = arith.constant 0 : i32
      %dma_wait3A_223 = tpu.memref_slice %arg4[%add3A_47, %dma_wait3A_222] : memref<69632x128xf32, #tpu.memory_space<hbm>> -> memref<128x128xf32, #tpu.memory_space<hbm>>
      tpu.wait_dma2 semaphore(%run_scoped3A : memref<!tpu.dma_semaphore, #tpu.memory_space<semaphore_mem>>) src(%arg7 : memref<128x128xf32, #tpu.memory_space<vmem>>) dst(%dma_wait3A_223 : memref<128x128xf32, #tpu.memory_space<hbm>>)
      tpu.yield
    }) : () -> ()
    %dma_start3A_48 = arith.constant 384 : i32
    %dma_start3A_49 = tpu.memref_slice %arg6[%dma_start3A_48] : memref<2176xi32, #tpu.memory_space<vmem>> -> memref<128xi32, #tpu.memory_space<vmem>>
    %dma_start3A_50 = arith.constant 0 : i32
    %dma_start3A_51 = arith.constant 0 : i32
    %dma_start3A_52 = tpu.memref_slice %arg3[%dma_start3A_50, %dma_start3A_51] : memref<32832x128xf32, #tpu.memory_space<hbm>> -> memref<32832x128xf32, #tpu.memory_space<hbm>>
    tpu.enqueue_indirect_dma source(%dma_start3A_52 : memref<32832x128xf32, #tpu.memory_space<hbm>>) target(%arg7 : memref<128x128xf32, #tpu.memory_space<vmem>>) offsets(%dma_start3A_49 : memref<128xi32, #tpu.memory_space<vmem>>) semaphore(%arg8 : memref<!tpu.dma_semaphore, #tpu.memory_space<semaphore_mem>>)
    %dma_wait3A_53 = arith.constant 384 : i32
    %dma_wait3A_54 = tpu.memref_slice %arg6[%dma_wait3A_53] : memref<2176xi32, #tpu.memory_space<vmem>> -> memref<128xi32, #tpu.memory_space<vmem>>
    %dma_wait3A_55 = arith.constant 0 : i32
    %dma_wait3A_56 = arith.constant 0 : i32
    %dma_wait3A_57 = tpu.memref_slice %arg3[%dma_wait3A_55, %dma_wait3A_56] : memref<32832x128xf32, #tpu.memory_space<hbm>> -> memref<32832x128xf32, #tpu.memory_space<hbm>>
    tpu.wait_indirect_dma semaphore(%arg8 : memref<!tpu.dma_semaphore, #tpu.memory_space<semaphore_mem>>) src(%dma_wait3A_57 : memref<32832x128xf32, #tpu.memory_space<hbm>>) dst(%arg7 : memref<128x128xf32, #tpu.memory_space<vmem>>)
    %add3A_58 = arith.constant 384 : i32
    %add3A_59 = arith.addi %mul3A_2, %add3A_58 : i32
    "tpu.region"() ({
      %run_scoped3A = tpu.sem_alloc : memref<!tpu.dma_semaphore, #tpu.memory_space<semaphore_mem>>
      %dma_start3A_216 = arith.constant 0 : i32
      %dma_start3A_217 = tpu.memref_slice %arg4[%add3A_59, %dma_start3A_216] : memref<69632x128xf32, #tpu.memory_space<hbm>> -> memref<128x128xf32, #tpu.memory_space<hbm>>
      %dma_start3A_218 = arith.constant 0 : i32
      %dma_start3A_219 = tpu.memref_slice %arg4[%add3A_59, %dma_start3A_218] : memref<69632x128xf32, #tpu.memory_space<hbm>> -> memref<128x128xf32, #tpu.memory_space<hbm>>
      tpu.enqueue_dma source(%arg7 : memref<128x128xf32, #tpu.memory_space<vmem>>) target(%dma_start3A_219 : memref<128x128xf32, #tpu.memory_space<hbm>>) target_semaphore(%run_scoped3A : memref<!tpu.dma_semaphore, #tpu.memory_space<semaphore_mem>>)
      %dma_wait3A_220 = arith.constant 0 : i32
      %dma_wait3A_221 = tpu.memref_slice %arg4[%add3A_59, %dma_wait3A_220] : memref<69632x128xf32, #tpu.memory_space<hbm>> -> memref<128x128xf32, #tpu.memory_space<hbm>>
      %dma_wait3A_222 = arith.constant 0 : i32
      %dma_wait3A_223 = tpu.memref_slice %arg4[%add3A_59, %dma_wait3A_222] : memref<69632x128xf32, #tpu.memory_space<hbm>> -> memref<128x128xf32, #tpu.memory_space<hbm>>
      tpu.wait_dma2 semaphore(%run_scoped3A : memref<!tpu.dma_semaphore, #tpu.memory_space<semaphore_mem>>) src(%arg7 : memref<128x128xf32, #tpu.memory_space<vmem>>) dst(%dma_wait3A_223 : memref<128x128xf32, #tpu.memory_space<hbm>>)
      tpu.yield
    }) : () -> ()
    %dma_start3A_60 = arith.constant 512 : i32
    %dma_start3A_61 = tpu.memref_slice %arg6[%dma_start3A_60] : memref<2176xi32, #tpu.memory_space<vmem>> -> memref<128xi32, #tpu.memory_space<vmem>>
    %dma_start3A_62 = arith.constant 0 : i32
    %dma_start3A_63 = arith.constant 0 : i32
    %dma_start3A_64 = tpu.memref_slice %arg3[%dma_start3A_62, %dma_start3A_63] : memref<32832x128xf32, #tpu.memory_space<hbm>> -> memref<32832x128xf32, #tpu.memory_space<hbm>>
    tpu.enqueue_indirect_dma source(%dma_start3A_64 : memref<32832x128xf32, #tpu.memory_space<hbm>>) target(%arg7 : memref<128x128xf32, #tpu.memory_space<vmem>>) offsets(%dma_start3A_61 : memref<128xi32, #tpu.memory_space<vmem>>) semaphore(%arg8 : memref<!tpu.dma_semaphore, #tpu.memory_space<semaphore_mem>>)
    %dma_wait3A_65 = arith.constant 512 : i32
    %dma_wait3A_66 = tpu.memref_slice %arg6[%dma_wait3A_65] : memref<2176xi32, #tpu.memory_space<vmem>> -> memref<128xi32, #tpu.memory_space<vmem>>
    %dma_wait3A_67 = arith.constant 0 : i32
    %dma_wait3A_68 = arith.constant 0 : i32
    %dma_wait3A_69 = tpu.memref_slice %arg3[%dma_wait3A_67, %dma_wait3A_68] : memref<32832x128xf32, #tpu.memory_space<hbm>> -> memref<32832x128xf32, #tpu.memory_space<hbm>>
    tpu.wait_indirect_dma semaphore(%arg8 : memref<!tpu.dma_semaphore, #tpu.memory_space<semaphore_mem>>) src(%dma_wait3A_69 : memref<32832x128xf32, #tpu.memory_space<hbm>>) dst(%arg7 : memref<128x128xf32, #tpu.memory_space<vmem>>)
    %add3A_70 = arith.constant 512 : i32
    %add3A_71 = arith.addi %mul3A_2, %add3A_70 : i32
    "tpu.region"() ({
      %run_scoped3A = tpu.sem_alloc : memref<!tpu.dma_semaphore, #tpu.memory_space<semaphore_mem>>
      %dma_start3A_216 = arith.constant 0 : i32
      %dma_start3A_217 = tpu.memref_slice %arg4[%add3A_71, %dma_start3A_216] : memref<69632x128xf32, #tpu.memory_space<hbm>> -> memref<128x128xf32, #tpu.memory_space<hbm>>
      %dma_start3A_218 = arith.constant 0 : i32
      %dma_start3A_219 = tpu.memref_slice %arg4[%add3A_71, %dma_start3A_218] : memref<69632x128xf32, #tpu.memory_space<hbm>> -> memref<128x128xf32, #tpu.memory_space<hbm>>
      tpu.enqueue_dma source(%arg7 : memref<128x128xf32, #tpu.memory_space<vmem>>) target(%dma_start3A_219 : memref<128x128xf32, #tpu.memory_space<hbm>>) target_semaphore(%run_scoped3A : memref<!tpu.dma_semaphore, #tpu.memory_space<semaphore_mem>>)
      %dma_wait3A_220 = arith.constant 0 : i32
      %dma_wait3A_221 = tpu.memref_slice %arg4[%add3A_71, %dma_wait3A_220] : memref<69632x128xf32, #tpu.memory_space<hbm>> -> memref<128x128xf32, #tpu.memory_space<hbm>>
      %dma_wait3A_222 = arith.constant 0 : i32
      %dma_wait3A_223 = tpu.memref_slice %arg4[%add3A_71, %dma_wait3A_222] : memref<69632x128xf32, #tpu.memory_space<hbm>> -> memref<128x128xf32, #tpu.memory_space<hbm>>
      tpu.wait_dma2 semaphore(%run_scoped3A : memref<!tpu.dma_semaphore, #tpu.memory_space<semaphore_mem>>) src(%arg7 : memref<128x128xf32, #tpu.memory_space<vmem>>) dst(%dma_wait3A_223 : memref<128x128xf32, #tpu.memory_space<hbm>>)
      tpu.yield
    }) : () -> ()
    %dma_start3A_72 = arith.constant 640 : i32
    %dma_start3A_73 = tpu.memref_slice %arg6[%dma_start3A_72] : memref<2176xi32, #tpu.memory_space<vmem>> -> memref<128xi32, #tpu.memory_space<vmem>>
    %dma_start3A_74 = arith.constant 0 : i32
    %dma_start3A_75 = arith.constant 0 : i32
    %dma_start3A_76 = tpu.memref_slice %arg3[%dma_start3A_74, %dma_start3A_75] : memref<32832x128xf32, #tpu.memory_space<hbm>> -> memref<32832x128xf32, #tpu.memory_space<hbm>>
    tpu.enqueue_indirect_dma source(%dma_start3A_76 : memref<32832x128xf32, #tpu.memory_space<hbm>>) target(%arg7 : memref<128x128xf32, #tpu.memory_space<vmem>>) offsets(%dma_start3A_73 : memref<128xi32, #tpu.memory_space<vmem>>) semaphore(%arg8 : memref<!tpu.dma_semaphore, #tpu.memory_space<semaphore_mem>>)
    %dma_wait3A_77 = arith.constant 640 : i32
    %dma_wait3A_78 = tpu.memref_slice %arg6[%dma_wait3A_77] : memref<2176xi32, #tpu.memory_space<vmem>> -> memref<128xi32, #tpu.memory_space<vmem>>
    %dma_wait3A_79 = arith.constant 0 : i32
    %dma_wait3A_80 = arith.constant 0 : i32
    %dma_wait3A_81 = tpu.memref_slice %arg3[%dma_wait3A_79, %dma_wait3A_80] : memref<32832x128xf32, #tpu.memory_space<hbm>> -> memref<32832x128xf32, #tpu.memory_space<hbm>>
    tpu.wait_indirect_dma semaphore(%arg8 : memref<!tpu.dma_semaphore, #tpu.memory_space<semaphore_mem>>) src(%dma_wait3A_81 : memref<32832x128xf32, #tpu.memory_space<hbm>>) dst(%arg7 : memref<128x128xf32, #tpu.memory_space<vmem>>)
    %add3A_82 = arith.constant 640 : i32
    %add3A_83 = arith.addi %mul3A_2, %add3A_82 : i32
    "tpu.region"() ({
      %run_scoped3A = tpu.sem_alloc : memref<!tpu.dma_semaphore, #tpu.memory_space<semaphore_mem>>
      %dma_start3A_216 = arith.constant 0 : i32
      %dma_start3A_217 = tpu.memref_slice %arg4[%add3A_83, %dma_start3A_216] : memref<69632x128xf32, #tpu.memory_space<hbm>> -> memref<128x128xf32, #tpu.memory_space<hbm>>
      %dma_start3A_218 = arith.constant 0 : i32
      %dma_start3A_219 = tpu.memref_slice %arg4[%add3A_83, %dma_start3A_218] : memref<69632x128xf32, #tpu.memory_space<hbm>> -> memref<128x128xf32, #tpu.memory_space<hbm>>
      tpu.enqueue_dma source(%arg7 : memref<128x128xf32, #tpu.memory_space<vmem>>) target(%dma_start3A_219 : memref<128x128xf32, #tpu.memory_space<hbm>>) target_semaphore(%run_scoped3A : memref<!tpu.dma_semaphore, #tpu.memory_space<semaphore_mem>>)
      %dma_wait3A_220 = arith.constant 0 : i32
      %dma_wait3A_221 = tpu.memref_slice %arg4[%add3A_83, %dma_wait3A_220] : memref<69632x128xf32, #tpu.memory_space<hbm>> -> memref<128x128xf32, #tpu.memory_space<hbm>>
      %dma_wait3A_222 = arith.constant 0 : i32
      %dma_wait3A_223 = tpu.memref_slice %arg4[%add3A_83, %dma_wait3A_222] : memref<69632x128xf32, #tpu.memory_space<hbm>> -> memref<128x128xf32, #tpu.memory_space<hbm>>
      tpu.wait_dma2 semaphore(%run_scoped3A : memref<!tpu.dma_semaphore, #tpu.memory_space<semaphore_mem>>) src(%arg7 : memref<128x128xf32, #tpu.memory_space<vmem>>) dst(%dma_wait3A_223 : memref<128x128xf32, #tpu.memory_space<hbm>>)
      tpu.yield
    }) : () -> ()
    %dma_start3A_84 = arith.constant 768 : i32
    %dma_start3A_85 = tpu.memref_slice %arg6[%dma_start3A_84] : memref<2176xi32, #tpu.memory_space<vmem>> -> memref<128xi32, #tpu.memory_space<vmem>>
    %dma_start3A_86 = arith.constant 0 : i32
    %dma_start3A_87 = arith.constant 0 : i32
    %dma_start3A_88 = tpu.memref_slice %arg3[%dma_start3A_86, %dma_start3A_87] : memref<32832x128xf32, #tpu.memory_space<hbm>> -> memref<32832x128xf32, #tpu.memory_space<hbm>>
    tpu.enqueue_indirect_dma source(%dma_start3A_88 : memref<32832x128xf32, #tpu.memory_space<hbm>>) target(%arg7 : memref<128x128xf32, #tpu.memory_space<vmem>>) offsets(%dma_start3A_85 : memref<128xi32, #tpu.memory_space<vmem>>) semaphore(%arg8 : memref<!tpu.dma_semaphore, #tpu.memory_space<semaphore_mem>>)
    %dma_wait3A_89 = arith.constant 768 : i32
    %dma_wait3A_90 = tpu.memref_slice %arg6[%dma_wait3A_89] : memref<2176xi32, #tpu.memory_space<vmem>> -> memref<128xi32, #tpu.memory_space<vmem>>
    %dma_wait3A_91 = arith.constant 0 : i32
    %dma_wait3A_92 = arith.constant 0 : i32
    %dma_wait3A_93 = tpu.memref_slice %arg3[%dma_wait3A_91, %dma_wait3A_92] : memref<32832x128xf32, #tpu.memory_space<hbm>> -> memref<32832x128xf32, #tpu.memory_space<hbm>>
    tpu.wait_indirect_dma semaphore(%arg8 : memref<!tpu.dma_semaphore, #tpu.memory_space<semaphore_mem>>) src(%dma_wait3A_93 : memref<32832x128xf32, #tpu.memory_space<hbm>>) dst(%arg7 : memref<128x128xf32, #tpu.memory_space<vmem>>)
    %add3A_94 = arith.constant 768 : i32
    %add3A_95 = arith.addi %mul3A_2, %add3A_94 : i32
    "tpu.region"() ({
      %run_scoped3A = tpu.sem_alloc : memref<!tpu.dma_semaphore, #tpu.memory_space<semaphore_mem>>
      %dma_start3A_216 = arith.constant 0 : i32
      %dma_start3A_217 = tpu.memref_slice %arg4[%add3A_95, %dma_start3A_216] : memref<69632x128xf32, #tpu.memory_space<hbm>> -> memref<128x128xf32, #tpu.memory_space<hbm>>
      %dma_start3A_218 = arith.constant 0 : i32
      %dma_start3A_219 = tpu.memref_slice %arg4[%add3A_95, %dma_start3A_218] : memref<69632x128xf32, #tpu.memory_space<hbm>> -> memref<128x128xf32, #tpu.memory_space<hbm>>
      tpu.enqueue_dma source(%arg7 : memref<128x128xf32, #tpu.memory_space<vmem>>) target(%dma_start3A_219 : memref<128x128xf32, #tpu.memory_space<hbm>>) target_semaphore(%run_scoped3A : memref<!tpu.dma_semaphore, #tpu.memory_space<semaphore_mem>>)
      %dma_wait3A_220 = arith.constant 0 : i32
      %dma_wait3A_221 = tpu.memref_slice %arg4[%add3A_95, %dma_wait3A_220] : memref<69632x128xf32, #tpu.memory_space<hbm>> -> memref<128x128xf32, #tpu.memory_space<hbm>>
      %dma_wait3A_222 = arith.constant 0 : i32
      %dma_wait3A_223 = tpu.memref_slice %arg4[%add3A_95, %dma_wait3A_222] : memref<69632x128xf32, #tpu.memory_space<hbm>> -> memref<128x128xf32, #tpu.memory_space<hbm>>
      tpu.wait_dma2 semaphore(%run_scoped3A : memref<!tpu.dma_semaphore, #tpu.memory_space<semaphore_mem>>) src(%arg7 : memref<128x128xf32, #tpu.memory_space<vmem>>) dst(%dma_wait3A_223 : memref<128x128xf32, #tpu.memory_space<hbm>>)
      tpu.yield
    }) : () -> ()
    %dma_start3A_96 = arith.constant 896 : i32
    %dma_start3A_97 = tpu.memref_slice %arg6[%dma_start3A_96] : memref<2176xi32, #tpu.memory_space<vmem>> -> memref<128xi32, #tpu.memory_space<vmem>>
    %dma_start3A_98 = arith.constant 0 : i32
    %dma_start3A_99 = arith.constant 0 : i32
    %dma_start3A_100 = tpu.memref_slice %arg3[%dma_start3A_98, %dma_start3A_99] : memref<32832x128xf32, #tpu.memory_space<hbm>> -> memref<32832x128xf32, #tpu.memory_space<hbm>>
    tpu.enqueue_indirect_dma source(%dma_start3A_100 : memref<32832x128xf32, #tpu.memory_space<hbm>>) target(%arg7 : memref<128x128xf32, #tpu.memory_space<vmem>>) offsets(%dma_start3A_97 : memref<128xi32, #tpu.memory_space<vmem>>) semaphore(%arg8 : memref<!tpu.dma_semaphore, #tpu.memory_space<semaphore_mem>>)
    %dma_wait3A_101 = arith.constant 896 : i32
    %dma_wait3A_102 = tpu.memref_slice %arg6[%dma_wait3A_101] : memref<2176xi32, #tpu.memory_space<vmem>> -> memref<128xi32, #tpu.memory_space<vmem>>
    %dma_wait3A_103 = arith.constant 0 : i32
    %dma_wait3A_104 = arith.constant 0 : i32
    %dma_wait3A_105 = tpu.memref_slice %arg3[%dma_wait3A_103, %dma_wait3A_104] : memref<32832x128xf32, #tpu.memory_space<hbm>> -> memref<32832x128xf32, #tpu.memory_space<hbm>>
    tpu.wait_indirect_dma semaphore(%arg8 : memref<!tpu.dma_semaphore, #tpu.memory_space<semaphore_mem>>) src(%dma_wait3A_105 : memref<32832x128xf32, #tpu.memory_space<hbm>>) dst(%arg7 : memref<128x128xf32, #tpu.memory_space<vmem>>)
    %add3A_106 = arith.constant 896 : i32
    %add3A_107 = arith.addi %mul3A_2, %add3A_106 : i32
    "tpu.region"() ({
      %run_scoped3A = tpu.sem_alloc : memref<!tpu.dma_semaphore, #tpu.memory_space<semaphore_mem>>
      %dma_start3A_216 = arith.constant 0 : i32
      %dma_start3A_217 = tpu.memref_slice %arg4[%add3A_107, %dma_start3A_216] : memref<69632x128xf32, #tpu.memory_space<hbm>> -> memref<128x128xf32, #tpu.memory_space<hbm>>
      %dma_start3A_218 = arith.constant 0 : i32
      %dma_start3A_219 = tpu.memref_slice %arg4[%add3A_107, %dma_start3A_218] : memref<69632x128xf32, #tpu.memory_space<hbm>> -> memref<128x128xf32, #tpu.memory_space<hbm>>
      tpu.enqueue_dma source(%arg7 : memref<128x128xf32, #tpu.memory_space<vmem>>) target(%dma_start3A_219 : memref<128x128xf32, #tpu.memory_space<hbm>>) target_semaphore(%run_scoped3A : memref<!tpu.dma_semaphore, #tpu.memory_space<semaphore_mem>>)
      %dma_wait3A_220 = arith.constant 0 : i32
      %dma_wait3A_221 = tpu.memref_slice %arg4[%add3A_107, %dma_wait3A_220] : memref<69632x128xf32, #tpu.memory_space<hbm>> -> memref<128x128xf32, #tpu.memory_space<hbm>>
      %dma_wait3A_222 = arith.constant 0 : i32
      %dma_wait3A_223 = tpu.memref_slice %arg4[%add3A_107, %dma_wait3A_222] : memref<69632x128xf32, #tpu.memory_space<hbm>> -> memref<128x128xf32, #tpu.memory_space<hbm>>
      tpu.wait_dma2 semaphore(%run_scoped3A : memref<!tpu.dma_semaphore, #tpu.memory_space<semaphore_mem>>) src(%arg7 : memref<128x128xf32, #tpu.memory_space<vmem>>) dst(%dma_wait3A_223 : memref<128x128xf32, #tpu.memory_space<hbm>>)
      tpu.yield
    }) : () -> ()
    %dma_start3A_108 = arith.constant 1024 : i32
    %dma_start3A_109 = tpu.memref_slice %arg6[%dma_start3A_108] : memref<2176xi32, #tpu.memory_space<vmem>> -> memref<128xi32, #tpu.memory_space<vmem>>
    %dma_start3A_110 = arith.constant 0 : i32
    %dma_start3A_111 = arith.constant 0 : i32
    %dma_start3A_112 = tpu.memref_slice %arg3[%dma_start3A_110, %dma_start3A_111] : memref<32832x128xf32, #tpu.memory_space<hbm>> -> memref<32832x128xf32, #tpu.memory_space<hbm>>
    tpu.enqueue_indirect_dma source(%dma_start3A_112 : memref<32832x128xf32, #tpu.memory_space<hbm>>) target(%arg7 : memref<128x128xf32, #tpu.memory_space<vmem>>) offsets(%dma_start3A_109 : memref<128xi32, #tpu.memory_space<vmem>>) semaphore(%arg8 : memref<!tpu.dma_semaphore, #tpu.memory_space<semaphore_mem>>)
    %dma_wait3A_113 = arith.constant 1024 : i32
    %dma_wait3A_114 = tpu.memref_slice %arg6[%dma_wait3A_113] : memref<2176xi32, #tpu.memory_space<vmem>> -> memref<128xi32, #tpu.memory_space<vmem>>
    %dma_wait3A_115 = arith.constant 0 : i32
    %dma_wait3A_116 = arith.constant 0 : i32
    %dma_wait3A_117 = tpu.memref_slice %arg3[%dma_wait3A_115, %dma_wait3A_116] : memref<32832x128xf32, #tpu.memory_space<hbm>> -> memref<32832x128xf32, #tpu.memory_space<hbm>>
    tpu.wait_indirect_dma semaphore(%arg8 : memref<!tpu.dma_semaphore, #tpu.memory_space<semaphore_mem>>) src(%dma_wait3A_117 : memref<32832x128xf32, #tpu.memory_space<hbm>>) dst(%arg7 : memref<128x128xf32, #tpu.memory_space<vmem>>)
    %add3A_118 = arith.constant 1024 : i32
    %add3A_119 = arith.addi %mul3A_2, %add3A_118 : i32
    "tpu.region"() ({
      %run_scoped3A = tpu.sem_alloc : memref<!tpu.dma_semaphore, #tpu.memory_space<semaphore_mem>>
      %dma_start3A_216 = arith.constant 0 : i32
      %dma_start3A_217 = tpu.memref_slice %arg4[%add3A_119, %dma_start3A_216] : memref<69632x128xf32, #tpu.memory_space<hbm>> -> memref<128x128xf32, #tpu.memory_space<hbm>>
      %dma_start3A_218 = arith.constant 0 : i32
      %dma_start3A_219 = tpu.memref_slice %arg4[%add3A_119, %dma_start3A_218] : memref<69632x128xf32, #tpu.memory_space<hbm>> -> memref<128x128xf32, #tpu.memory_space<hbm>>
      tpu.enqueue_dma source(%arg7 : memref<128x128xf32, #tpu.memory_space<vmem>>) target(%dma_start3A_219 : memref<128x128xf32, #tpu.memory_space<hbm>>) target_semaphore(%run_scoped3A : memref<!tpu.dma_semaphore, #tpu.memory_space<semaphore_mem>>)
      %dma_wait3A_220 = arith.constant 0 : i32
      %dma_wait3A_221 = tpu.memref_slice %arg4[%add3A_119, %dma_wait3A_220] : memref<69632x128xf32, #tpu.memory_space<hbm>> -> memref<128x128xf32, #tpu.memory_space<hbm>>
      %dma_wait3A_222 = arith.constant 0 : i32
      %dma_wait3A_223 = tpu.memref_slice %arg4[%add3A_119, %dma_wait3A_222] : memref<69632x128xf32, #tpu.memory_space<hbm>> -> memref<128x128xf32, #tpu.memory_space<hbm>>
      tpu.wait_dma2 semaphore(%run_scoped3A : memref<!tpu.dma_semaphore, #tpu.memory_space<semaphore_mem>>) src(%arg7 : memref<128x128xf32, #tpu.memory_space<vmem>>) dst(%dma_wait3A_223 : memref<128x128xf32, #tpu.memory_space<hbm>>)
      tpu.yield
    }) : () -> ()
    %dma_start3A_120 = arith.constant 1152 : i32
    %dma_start3A_121 = tpu.memref_slice %arg6[%dma_start3A_120] : memref<2176xi32, #tpu.memory_space<vmem>> -> memref<128xi32, #tpu.memory_space<vmem>>
    %dma_start3A_122 = arith.constant 0 : i32
    %dma_start3A_123 = arith.constant 0 : i32
    %dma_start3A_124 = tpu.memref_slice %arg3[%dma_start3A_122, %dma_start3A_123] : memref<32832x128xf32, #tpu.memory_space<hbm>> -> memref<32832x128xf32, #tpu.memory_space<hbm>>
    tpu.enqueue_indirect_dma source(%dma_start3A_124 : memref<32832x128xf32, #tpu.memory_space<hbm>>) target(%arg7 : memref<128x128xf32, #tpu.memory_space<vmem>>) offsets(%dma_start3A_121 : memref<128xi32, #tpu.memory_space<vmem>>) semaphore(%arg8 : memref<!tpu.dma_semaphore, #tpu.memory_space<semaphore_mem>>)
    %dma_wait3A_125 = arith.constant 1152 : i32
    %dma_wait3A_126 = tpu.memref_slice %arg6[%dma_wait3A_125] : memref<2176xi32, #tpu.memory_space<vmem>> -> memref<128xi32, #tpu.memory_space<vmem>>
    %dma_wait3A_127 = arith.constant 0 : i32
    %dma_wait3A_128 = arith.constant 0 : i32
    %dma_wait3A_129 = tpu.memref_slice %arg3[%dma_wait3A_127, %dma_wait3A_128] : memref<32832x128xf32, #tpu.memory_space<hbm>> -> memref<32832x128xf32, #tpu.memory_space<hbm>>
    tpu.wait_indirect_dma semaphore(%arg8 : memref<!tpu.dma_semaphore, #tpu.memory_space<semaphore_mem>>) src(%dma_wait3A_129 : memref<32832x128xf32, #tpu.memory_space<hbm>>) dst(%arg7 : memref<128x128xf32, #tpu.memory_space<vmem>>)
    %add3A_130 = arith.constant 1152 : i32
    %add3A_131 = arith.addi %mul3A_2, %add3A_130 : i32
    "tpu.region"() ({
      %run_scoped3A = tpu.sem_alloc : memref<!tpu.dma_semaphore, #tpu.memory_space<semaphore_mem>>
      %dma_start3A_216 = arith.constant 0 : i32
      %dma_start3A_217 = tpu.memref_slice %arg4[%add3A_131, %dma_start3A_216] : memref<69632x128xf32, #tpu.memory_space<hbm>> -> memref<128x128xf32, #tpu.memory_space<hbm>>
      %dma_start3A_218 = arith.constant 0 : i32
      %dma_start3A_219 = tpu.memref_slice %arg4[%add3A_131, %dma_start3A_218] : memref<69632x128xf32, #tpu.memory_space<hbm>> -> memref<128x128xf32, #tpu.memory_space<hbm>>
      tpu.enqueue_dma source(%arg7 : memref<128x128xf32, #tpu.memory_space<vmem>>) target(%dma_start3A_219 : memref<128x128xf32, #tpu.memory_space<hbm>>) target_semaphore(%run_scoped3A : memref<!tpu.dma_semaphore, #tpu.memory_space<semaphore_mem>>)
      %dma_wait3A_220 = arith.constant 0 : i32
      %dma_wait3A_221 = tpu.memref_slice %arg4[%add3A_131, %dma_wait3A_220] : memref<69632x128xf32, #tpu.memory_space<hbm>> -> memref<128x128xf32, #tpu.memory_space<hbm>>
      %dma_wait3A_222 = arith.constant 0 : i32
      %dma_wait3A_223 = tpu.memref_slice %arg4[%add3A_131, %dma_wait3A_222] : memref<69632x128xf32, #tpu.memory_space<hbm>> -> memref<128x128xf32, #tpu.memory_space<hbm>>
      tpu.wait_dma2 semaphore(%run_scoped3A : memref<!tpu.dma_semaphore, #tpu.memory_space<semaphore_mem>>) src(%arg7 : memref<128x128xf32, #tpu.memory_space<vmem>>) dst(%dma_wait3A_223 : memref<128x128xf32, #tpu.memory_space<hbm>>)
      tpu.yield
    }) : () -> ()
    %dma_start3A_132 = arith.constant 1280 : i32
    %dma_start3A_133 = tpu.memref_slice %arg6[%dma_start3A_132] : memref<2176xi32, #tpu.memory_space<vmem>> -> memref<128xi32, #tpu.memory_space<vmem>>
    %dma_start3A_134 = arith.constant 0 : i32
    %dma_start3A_135 = arith.constant 0 : i32
    %dma_start3A_136 = tpu.memref_slice %arg3[%dma_start3A_134, %dma_start3A_135] : memref<32832x128xf32, #tpu.memory_space<hbm>> -> memref<32832x128xf32, #tpu.memory_space<hbm>>
    tpu.enqueue_indirect_dma source(%dma_start3A_136 : memref<32832x128xf32, #tpu.memory_space<hbm>>) target(%arg7 : memref<128x128xf32, #tpu.memory_space<vmem>>) offsets(%dma_start3A_133 : memref<128xi32, #tpu.memory_space<vmem>>) semaphore(%arg8 : memref<!tpu.dma_semaphore, #tpu.memory_space<semaphore_mem>>)
    %dma_wait3A_137 = arith.constant 1280 : i32
    %dma_wait3A_138 = tpu.memref_slice %arg6[%dma_wait3A_137] : memref<2176xi32, #tpu.memory_space<vmem>> -> memref<128xi32, #tpu.memory_space<vmem>>
    %dma_wait3A_139 = arith.constant 0 : i32
    %dma_wait3A_140 = arith.constant 0 : i32
    %dma_wait3A_141 = tpu.memref_slice %arg3[%dma_wait3A_139, %dma_wait3A_140] : memref<32832x128xf32, #tpu.memory_space<hbm>> -> memref<32832x128xf32, #tpu.memory_space<hbm>>
    tpu.wait_indirect_dma semaphore(%arg8 : memref<!tpu.dma_semaphore, #tpu.memory_space<semaphore_mem>>) src(%dma_wait3A_141 : memref<32832x128xf32, #tpu.memory_space<hbm>>) dst(%arg7 : memref<128x128xf32, #tpu.memory_space<vmem>>)
    %add3A_142 = arith.constant 1280 : i32
    %add3A_143 = arith.addi %mul3A_2, %add3A_142 : i32
    "tpu.region"() ({
      %run_scoped3A = tpu.sem_alloc : memref<!tpu.dma_semaphore, #tpu.memory_space<semaphore_mem>>
      %dma_start3A_216 = arith.constant 0 : i32
      %dma_start3A_217 = tpu.memref_slice %arg4[%add3A_143, %dma_start3A_216] : memref<69632x128xf32, #tpu.memory_space<hbm>> -> memref<128x128xf32, #tpu.memory_space<hbm>>
      %dma_start3A_218 = arith.constant 0 : i32
      %dma_start3A_219 = tpu.memref_slice %arg4[%add3A_143, %dma_start3A_218] : memref<69632x128xf32, #tpu.memory_space<hbm>> -> memref<128x128xf32, #tpu.memory_space<hbm>>
      tpu.enqueue_dma source(%arg7 : memref<128x128xf32, #tpu.memory_space<vmem>>) target(%dma_start3A_219 : memref<128x128xf32, #tpu.memory_space<hbm>>) target_semaphore(%run_scoped3A : memref<!tpu.dma_semaphore, #tpu.memory_space<semaphore_mem>>)
      %dma_wait3A_220 = arith.constant 0 : i32
      %dma_wait3A_221 = tpu.memref_slice %arg4[%add3A_143, %dma_wait3A_220] : memref<69632x128xf32, #tpu.memory_space<hbm>> -> memref<128x128xf32, #tpu.memory_space<hbm>>
      %dma_wait3A_222 = arith.constant 0 : i32
      %dma_wait3A_223 = tpu.memref_slice %arg4[%add3A_143, %dma_wait3A_222] : memref<69632x128xf32, #tpu.memory_space<hbm>> -> memref<128x128xf32, #tpu.memory_space<hbm>>
      tpu.wait_dma2 semaphore(%run_scoped3A : memref<!tpu.dma_semaphore, #tpu.memory_space<semaphore_mem>>) src(%arg7 : memref<128x128xf32, #tpu.memory_space<vmem>>) dst(%dma_wait3A_223 : memref<128x128xf32, #tpu.memory_space<hbm>>)
      tpu.yield
    }) : () -> ()
    %dma_start3A_144 = arith.constant 1408 : i32
    %dma_start3A_145 = tpu.memref_slice %arg6[%dma_start3A_144] : memref<2176xi32, #tpu.memory_space<vmem>> -> memref<128xi32, #tpu.memory_space<vmem>>
    %dma_start3A_146 = arith.constant 0 : i32
    %dma_start3A_147 = arith.constant 0 : i32
    %dma_start3A_148 = tpu.memref_slice %arg3[%dma_start3A_146, %dma_start3A_147] : memref<32832x128xf32, #tpu.memory_space<hbm>> -> memref<32832x128xf32, #tpu.memory_space<hbm>>
    tpu.enqueue_indirect_dma source(%dma_start3A_148 : memref<32832x128xf32, #tpu.memory_space<hbm>>) target(%arg7 : memref<128x128xf32, #tpu.memory_space<vmem>>) offsets(%dma_start3A_145 : memref<128xi32, #tpu.memory_space<vmem>>) semaphore(%arg8 : memref<!tpu.dma_semaphore, #tpu.memory_space<semaphore_mem>>)
    %dma_wait3A_149 = arith.constant 1408 : i32
    %dma_wait3A_150 = tpu.memref_slice %arg6[%dma_wait3A_149] : memref<2176xi32, #tpu.memory_space<vmem>> -> memref<128xi32, #tpu.memory_space<vmem>>
    %dma_wait3A_151 = arith.constant 0 : i32
    %dma_wait3A_152 = arith.constant 0 : i32
    %dma_wait3A_153 = tpu.memref_slice %arg3[%dma_wait3A_151, %dma_wait3A_152] : memref<32832x128xf32, #tpu.memory_space<hbm>> -> memref<32832x128xf32, #tpu.memory_space<hbm>>
    tpu.wait_indirect_dma semaphore(%arg8 : memref<!tpu.dma_semaphore, #tpu.memory_space<semaphore_mem>>) src(%dma_wait3A_153 : memref<32832x128xf32, #tpu.memory_space<hbm>>) dst(%arg7 : memref<128x128xf32, #tpu.memory_space<vmem>>)
    %add3A_154 = arith.constant 1408 : i32
    %add3A_155 = arith.addi %mul3A_2, %add3A_154 : i32
    "tpu.region"() ({
      %run_scoped3A = tpu.sem_alloc : memref<!tpu.dma_semaphore, #tpu.memory_space<semaphore_mem>>
      %dma_start3A_216 = arith.constant 0 : i32
      %dma_start3A_217 = tpu.memref_slice %arg4[%add3A_155, %dma_start3A_216] : memref<69632x128xf32, #tpu.memory_space<hbm>> -> memref<128x128xf32, #tpu.memory_space<hbm>>
      %dma_start3A_218 = arith.constant 0 : i32
      %dma_start3A_219 = tpu.memref_slice %arg4[%add3A_155, %dma_start3A_218] : memref<69632x128xf32, #tpu.memory_space<hbm>> -> memref<128x128xf32, #tpu.memory_space<hbm>>
      tpu.enqueue_dma source(%arg7 : memref<128x128xf32, #tpu.memory_space<vmem>>) target(%dma_start3A_219 : memref<128x128xf32, #tpu.memory_space<hbm>>) target_semaphore(%run_scoped3A : memref<!tpu.dma_semaphore, #tpu.memory_space<semaphore_mem>>)
      %dma_wait3A_220 = arith.constant 0 : i32
      %dma_wait3A_221 = tpu.memref_slice %arg4[%add3A_155, %dma_wait3A_220] : memref<69632x128xf32, #tpu.memory_space<hbm>> -> memref<128x128xf32, #tpu.memory_space<hbm>>
      %dma_wait3A_222 = arith.constant 0 : i32
      %dma_wait3A_223 = tpu.memref_slice %arg4[%add3A_155, %dma_wait3A_222] : memref<69632x128xf32, #tpu.memory_space<hbm>> -> memref<128x128xf32, #tpu.memory_space<hbm>>
      tpu.wait_dma2 semaphore(%run_scoped3A : memref<!tpu.dma_semaphore, #tpu.memory_space<semaphore_mem>>) src(%arg7 : memref<128x128xf32, #tpu.memory_space<vmem>>) dst(%dma_wait3A_223 : memref<128x128xf32, #tpu.memory_space<hbm>>)
      tpu.yield
    }) : () -> ()
    %dma_start3A_156 = arith.constant 1536 : i32
    %dma_start3A_157 = tpu.memref_slice %arg6[%dma_start3A_156] : memref<2176xi32, #tpu.memory_space<vmem>> -> memref<128xi32, #tpu.memory_space<vmem>>
    %dma_start3A_158 = arith.constant 0 : i32
    %dma_start3A_159 = arith.constant 0 : i32
    %dma_start3A_160 = tpu.memref_slice %arg3[%dma_start3A_158, %dma_start3A_159] : memref<32832x128xf32, #tpu.memory_space<hbm>> -> memref<32832x128xf32, #tpu.memory_space<hbm>>
    tpu.enqueue_indirect_dma source(%dma_start3A_160 : memref<32832x128xf32, #tpu.memory_space<hbm>>) target(%arg7 : memref<128x128xf32, #tpu.memory_space<vmem>>) offsets(%dma_start3A_157 : memref<128xi32, #tpu.memory_space<vmem>>) semaphore(%arg8 : memref<!tpu.dma_semaphore, #tpu.memory_space<semaphore_mem>>)
    %dma_wait3A_161 = arith.constant 1536 : i32
    %dma_wait3A_162 = tpu.memref_slice %arg6[%dma_wait3A_161] : memref<2176xi32, #tpu.memory_space<vmem>> -> memref<128xi32, #tpu.memory_space<vmem>>
    %dma_wait3A_163 = arith.constant 0 : i32
    %dma_wait3A_164 = arith.constant 0 : i32
    %dma_wait3A_165 = tpu.memref_slice %arg3[%dma_wait3A_163, %dma_wait3A_164] : memref<32832x128xf32, #tpu.memory_space<hbm>> -> memref<32832x128xf32, #tpu.memory_space<hbm>>
    tpu.wait_indirect_dma semaphore(%arg8 : memref<!tpu.dma_semaphore, #tpu.memory_space<semaphore_mem>>) src(%dma_wait3A_165 : memref<32832x128xf32, #tpu.memory_space<hbm>>) dst(%arg7 : memref<128x128xf32, #tpu.memory_space<vmem>>)
    %add3A_166 = arith.constant 1536 : i32
    %add3A_167 = arith.addi %mul3A_2, %add3A_166 : i32
    "tpu.region"() ({
      %run_scoped3A = tpu.sem_alloc : memref<!tpu.dma_semaphore, #tpu.memory_space<semaphore_mem>>
      %dma_start3A_216 = arith.constant 0 : i32
      %dma_start3A_217 = tpu.memref_slice %arg4[%add3A_167, %dma_start3A_216] : memref<69632x128xf32, #tpu.memory_space<hbm>> -> memref<128x128xf32, #tpu.memory_space<hbm>>
      %dma_start3A_218 = arith.constant 0 : i32
      %dma_start3A_219 = tpu.memref_slice %arg4[%add3A_167, %dma_start3A_218] : memref<69632x128xf32, #tpu.memory_space<hbm>> -> memref<128x128xf32, #tpu.memory_space<hbm>>
      tpu.enqueue_dma source(%arg7 : memref<128x128xf32, #tpu.memory_space<vmem>>) target(%dma_start3A_219 : memref<128x128xf32, #tpu.memory_space<hbm>>) target_semaphore(%run_scoped3A : memref<!tpu.dma_semaphore, #tpu.memory_space<semaphore_mem>>)
      %dma_wait3A_220 = arith.constant 0 : i32
      %dma_wait3A_221 = tpu.memref_slice %arg4[%add3A_167, %dma_wait3A_220] : memref<69632x128xf32, #tpu.memory_space<hbm>> -> memref<128x128xf32, #tpu.memory_space<hbm>>
      %dma_wait3A_222 = arith.constant 0 : i32
      %dma_wait3A_223 = tpu.memref_slice %arg4[%add3A_167, %dma_wait3A_222] : memref<69632x128xf32, #tpu.memory_space<hbm>> -> memref<128x128xf32, #tpu.memory_space<hbm>>
      tpu.wait_dma2 semaphore(%run_scoped3A : memref<!tpu.dma_semaphore, #tpu.memory_space<semaphore_mem>>) src(%arg7 : memref<128x128xf32, #tpu.memory_space<vmem>>) dst(%dma_wait3A_223 : memref<128x128xf32, #tpu.memory_space<hbm>>)
      tpu.yield
    }) : () -> ()
    %dma_start3A_168 = arith.constant 1664 : i32
    %dma_start3A_169 = tpu.memref_slice %arg6[%dma_start3A_168] : memref<2176xi32, #tpu.memory_space<vmem>> -> memref<128xi32, #tpu.memory_space<vmem>>
    %dma_start3A_170 = arith.constant 0 : i32
    %dma_start3A_171 = arith.constant 0 : i32
    %dma_start3A_172 = tpu.memref_slice %arg3[%dma_start3A_170, %dma_start3A_171] : memref<32832x128xf32, #tpu.memory_space<hbm>> -> memref<32832x128xf32, #tpu.memory_space<hbm>>
    tpu.enqueue_indirect_dma source(%dma_start3A_172 : memref<32832x128xf32, #tpu.memory_space<hbm>>) target(%arg7 : memref<128x128xf32, #tpu.memory_space<vmem>>) offsets(%dma_start3A_169 : memref<128xi32, #tpu.memory_space<vmem>>) semaphore(%arg8 : memref<!tpu.dma_semaphore, #tpu.memory_space<semaphore_mem>>)
    %dma_wait3A_173 = arith.constant 1664 : i32
    %dma_wait3A_174 = tpu.memref_slice %arg6[%dma_wait3A_173] : memref<2176xi32, #tpu.memory_space<vmem>> -> memref<128xi32, #tpu.memory_space<vmem>>
    %dma_wait3A_175 = arith.constant 0 : i32
    %dma_wait3A_176 = arith.constant 0 : i32
    %dma_wait3A_177 = tpu.memref_slice %arg3[%dma_wait3A_175, %dma_wait3A_176] : memref<32832x128xf32, #tpu.memory_space<hbm>> -> memref<32832x128xf32, #tpu.memory_space<hbm>>
    tpu.wait_indirect_dma semaphore(%arg8 : memref<!tpu.dma_semaphore, #tpu.memory_space<semaphore_mem>>) src(%dma_wait3A_177 : memref<32832x128xf32, #tpu.memory_space<hbm>>) dst(%arg7 : memref<128x128xf32, #tpu.memory_space<vmem>>)
    %add3A_178 = arith.constant 1664 : i32
    %add3A_179 = arith.addi %mul3A_2, %add3A_178 : i32
    "tpu.region"() ({
      %run_scoped3A = tpu.sem_alloc : memref<!tpu.dma_semaphore, #tpu.memory_space<semaphore_mem>>
      %dma_start3A_216 = arith.constant 0 : i32
      %dma_start3A_217 = tpu.memref_slice %arg4[%add3A_179, %dma_start3A_216] : memref<69632x128xf32, #tpu.memory_space<hbm>> -> memref<128x128xf32, #tpu.memory_space<hbm>>
      %dma_start3A_218 = arith.constant 0 : i32
      %dma_start3A_219 = tpu.memref_slice %arg4[%add3A_179, %dma_start3A_218] : memref<69632x128xf32, #tpu.memory_space<hbm>> -> memref<128x128xf32, #tpu.memory_space<hbm>>
      tpu.enqueue_dma source(%arg7 : memref<128x128xf32, #tpu.memory_space<vmem>>) target(%dma_start3A_219 : memref<128x128xf32, #tpu.memory_space<hbm>>) target_semaphore(%run_scoped3A : memref<!tpu.dma_semaphore, #tpu.memory_space<semaphore_mem>>)
      %dma_wait3A_220 = arith.constant 0 : i32
      %dma_wait3A_221 = tpu.memref_slice %arg4[%add3A_179, %dma_wait3A_220] : memref<69632x128xf32, #tpu.memory_space<hbm>> -> memref<128x128xf32, #tpu.memory_space<hbm>>
      %dma_wait3A_222 = arith.constant 0 : i32
      %dma_wait3A_223 = tpu.memref_slice %arg4[%add3A_179, %dma_wait3A_222] : memref<69632x128xf32, #tpu.memory_space<hbm>> -> memref<128x128xf32, #tpu.memory_space<hbm>>
      tpu.wait_dma2 semaphore(%run_scoped3A : memref<!tpu.dma_semaphore, #tpu.memory_space<semaphore_mem>>) src(%arg7 : memref<128x128xf32, #tpu.memory_space<vmem>>) dst(%dma_wait3A_223 : memref<128x128xf32, #tpu.memory_space<hbm>>)
      tpu.yield
    }) : () -> ()
    %dma_start3A_180 = arith.constant 1792 : i32
    %dma_start3A_181 = tpu.memref_slice %arg6[%dma_start3A_180] : memref<2176xi32, #tpu.memory_space<vmem>> -> memref<128xi32, #tpu.memory_space<vmem>>
    %dma_start3A_182 = arith.constant 0 : i32
    %dma_start3A_183 = arith.constant 0 : i32
    %dma_start3A_184 = tpu.memref_slice %arg3[%dma_start3A_182, %dma_start3A_183] : memref<32832x128xf32, #tpu.memory_space<hbm>> -> memref<32832x128xf32, #tpu.memory_space<hbm>>
    tpu.enqueue_indirect_dma source(%dma_start3A_184 : memref<32832x128xf32, #tpu.memory_space<hbm>>) target(%arg7 : memref<128x128xf32, #tpu.memory_space<vmem>>) offsets(%dma_start3A_181 : memref<128xi32, #tpu.memory_space<vmem>>) semaphore(%arg8 : memref<!tpu.dma_semaphore, #tpu.memory_space<semaphore_mem>>)
    %dma_wait3A_185 = arith.constant 1792 : i32
    %dma_wait3A_186 = tpu.memref_slice %arg6[%dma_wait3A_185] : memref<2176xi32, #tpu.memory_space<vmem>> -> memref<128xi32, #tpu.memory_space<vmem>>
    %dma_wait3A_187 = arith.constant 0 : i32
    %dma_wait3A_188 = arith.constant 0 : i32
    %dma_wait3A_189 = tpu.memref_slice %arg3[%dma_wait3A_187, %dma_wait3A_188] : memref<32832x128xf32, #tpu.memory_space<hbm>> -> memref<32832x128xf32, #tpu.memory_space<hbm>>
    tpu.wait_indirect_dma semaphore(%arg8 : memref<!tpu.dma_semaphore, #tpu.memory_space<semaphore_mem>>) src(%dma_wait3A_189 : memref<32832x128xf32, #tpu.memory_space<hbm>>) dst(%arg7 : memref<128x128xf32, #tpu.memory_space<vmem>>)
    %add3A_190 = arith.constant 1792 : i32
    %add3A_191 = arith.addi %mul3A_2, %add3A_190 : i32
    "tpu.region"() ({
      %run_scoped3A = tpu.sem_alloc : memref<!tpu.dma_semaphore, #tpu.memory_space<semaphore_mem>>
      %dma_start3A_216 = arith.constant 0 : i32
      %dma_start3A_217 = tpu.memref_slice %arg4[%add3A_191, %dma_start3A_216] : memref<69632x128xf32, #tpu.memory_space<hbm>> -> memref<128x128xf32, #tpu.memory_space<hbm>>
      %dma_start3A_218 = arith.constant 0 : i32
      %dma_start3A_219 = tpu.memref_slice %arg4[%add3A_191, %dma_start3A_218] : memref<69632x128xf32, #tpu.memory_space<hbm>> -> memref<128x128xf32, #tpu.memory_space<hbm>>
      tpu.enqueue_dma source(%arg7 : memref<128x128xf32, #tpu.memory_space<vmem>>) target(%dma_start3A_219 : memref<128x128xf32, #tpu.memory_space<hbm>>) target_semaphore(%run_scoped3A : memref<!tpu.dma_semaphore, #tpu.memory_space<semaphore_mem>>)
      %dma_wait3A_220 = arith.constant 0 : i32
      %dma_wait3A_221 = tpu.memref_slice %arg4[%add3A_191, %dma_wait3A_220] : memref<69632x128xf32, #tpu.memory_space<hbm>> -> memref<128x128xf32, #tpu.memory_space<hbm>>
      %dma_wait3A_222 = arith.constant 0 : i32
      %dma_wait3A_223 = tpu.memref_slice %arg4[%add3A_191, %dma_wait3A_222] : memref<69632x128xf32, #tpu.memory_space<hbm>> -> memref<128x128xf32, #tpu.memory_space<hbm>>
      tpu.wait_dma2 semaphore(%run_scoped3A : memref<!tpu.dma_semaphore, #tpu.memory_space<semaphore_mem>>) src(%arg7 : memref<128x128xf32, #tpu.memory_space<vmem>>) dst(%dma_wait3A_223 : memref<128x128xf32, #tpu.memory_space<hbm>>)
      tpu.yield
    }) : () -> ()
    %dma_start3A_192 = arith.constant 1920 : i32
    %dma_start3A_193 = tpu.memref_slice %arg6[%dma_start3A_192] : memref<2176xi32, #tpu.memory_space<vmem>> -> memref<128xi32, #tpu.memory_space<vmem>>
    %dma_start3A_194 = arith.constant 0 : i32
    %dma_start3A_195 = arith.constant 0 : i32
    %dma_start3A_196 = tpu.memref_slice %arg3[%dma_start3A_194, %dma_start3A_195] : memref<32832x128xf32, #tpu.memory_space<hbm>> -> memref<32832x128xf32, #tpu.memory_space<hbm>>
    tpu.enqueue_indirect_dma source(%dma_start3A_196 : memref<32832x128xf32, #tpu.memory_space<hbm>>) target(%arg7 : memref<128x128xf32, #tpu.memory_space<vmem>>) offsets(%dma_start3A_193 : memref<128xi32, #tpu.memory_space<vmem>>) semaphore(%arg8 : memref<!tpu.dma_semaphore, #tpu.memory_space<semaphore_mem>>)
    %dma_wait3A_197 = arith.constant 1920 : i32
    %dma_wait3A_198 = tpu.memref_slice %arg6[%dma_wait3A_197] : memref<2176xi32, #tpu.memory_space<vmem>> -> memref<128xi32, #tpu.memory_space<vmem>>
    %dma_wait3A_199 = arith.constant 0 : i32
    %dma_wait3A_200 = arith.constant 0 : i32
    %dma_wait3A_201 = tpu.memref_slice %arg3[%dma_wait3A_199, %dma_wait3A_200] : memref<32832x128xf32, #tpu.memory_space<hbm>> -> memref<32832x128xf32, #tpu.memory_space<hbm>>
    tpu.wait_indirect_dma semaphore(%arg8 : memref<!tpu.dma_semaphore, #tpu.memory_space<semaphore_mem>>) src(%dma_wait3A_201 : memref<32832x128xf32, #tpu.memory_space<hbm>>) dst(%arg7 : memref<128x128xf32, #tpu.memory_space<vmem>>)
    %add3A_202 = arith.constant 1920 : i32
    %add3A_203 = arith.addi %mul3A_2, %add3A_202 : i32
    "tpu.region"() ({
      %run_scoped3A = tpu.sem_alloc : memref<!tpu.dma_semaphore, #tpu.memory_space<semaphore_mem>>
      %dma_start3A_216 = arith.constant 0 : i32
      %dma_start3A_217 = tpu.memref_slice %arg4[%add3A_203, %dma_start3A_216] : memref<69632x128xf32, #tpu.memory_space<hbm>> -> memref<128x128xf32, #tpu.memory_space<hbm>>
      %dma_start3A_218 = arith.constant 0 : i32
      %dma_start3A_219 = tpu.memref_slice %arg4[%add3A_203, %dma_start3A_218] : memref<69632x128xf32, #tpu.memory_space<hbm>> -> memref<128x128xf32, #tpu.memory_space<hbm>>
      tpu.enqueue_dma source(%arg7 : memref<128x128xf32, #tpu.memory_space<vmem>>) target(%dma_start3A_219 : memref<128x128xf32, #tpu.memory_space<hbm>>) target_semaphore(%run_scoped3A : memref<!tpu.dma_semaphore, #tpu.memory_space<semaphore_mem>>)
      %dma_wait3A_220 = arith.constant 0 : i32
      %dma_wait3A_221 = tpu.memref_slice %arg4[%add3A_203, %dma_wait3A_220] : memref<69632x128xf32, #tpu.memory_space<hbm>> -> memref<128x128xf32, #tpu.memory_space<hbm>>
      %dma_wait3A_222 = arith.constant 0 : i32
      %dma_wait3A_223 = tpu.memref_slice %arg4[%add3A_203, %dma_wait3A_222] : memref<69632x128xf32, #tpu.memory_space<hbm>> -> memref<128x128xf32, #tpu.memory_space<hbm>>
      tpu.wait_dma2 semaphore(%run_scoped3A : memref<!tpu.dma_semaphore, #tpu.memory_space<semaphore_mem>>) src(%arg7 : memref<128x128xf32, #tpu.memory_space<vmem>>) dst(%dma_wait3A_223 : memref<128x128xf32, #tpu.memory_space<hbm>>)
      tpu.yield
    }) : () -> ()
    %dma_start3A_204 = arith.constant 2048 : i32
    %dma_start3A_205 = tpu.memref_slice %arg6[%dma_start3A_204] : memref<2176xi32, #tpu.memory_space<vmem>> -> memref<128xi32, #tpu.memory_space<vmem>>
    %dma_start3A_206 = arith.constant 0 : i32
    %dma_start3A_207 = arith.constant 0 : i32
    %dma_start3A_208 = tpu.memref_slice %arg3[%dma_start3A_206, %dma_start3A_207] : memref<32832x128xf32, #tpu.memory_space<hbm>> -> memref<32832x128xf32, #tpu.memory_space<hbm>>
    tpu.enqueue_indirect_dma source(%dma_start3A_208 : memref<32832x128xf32, #tpu.memory_space<hbm>>) target(%arg7 : memref<128x128xf32, #tpu.memory_space<vmem>>) offsets(%dma_start3A_205 : memref<128xi32, #tpu.memory_space<vmem>>) semaphore(%arg8 : memref<!tpu.dma_semaphore, #tpu.memory_space<semaphore_mem>>)
    %dma_wait3A_209 = arith.constant 2048 : i32
    %dma_wait3A_210 = tpu.memref_slice %arg6[%dma_wait3A_209] : memref<2176xi32, #tpu.memory_space<vmem>> -> memref<128xi32, #tpu.memory_space<vmem>>
    %dma_wait3A_211 = arith.constant 0 : i32
    %dma_wait3A_212 = arith.constant 0 : i32
    %dma_wait3A_213 = tpu.memref_slice %arg3[%dma_wait3A_211, %dma_wait3A_212] : memref<32832x128xf32, #tpu.memory_space<hbm>> -> memref<32832x128xf32, #tpu.memory_space<hbm>>
    tpu.wait_indirect_dma semaphore(%arg8 : memref<!tpu.dma_semaphore, #tpu.memory_space<semaphore_mem>>) src(%dma_wait3A_213 : memref<32832x128xf32, #tpu.memory_space<hbm>>) dst(%arg7 : memref<128x128xf32, #tpu.memory_space<vmem>>)
    %add3A_214 = arith.constant 2048 : i32
    %add3A_215 = arith.addi %mul3A_2, %add3A_214 : i32
    "tpu.region"() ({
      %run_scoped3A = tpu.sem_alloc : memref<!tpu.dma_semaphore, #tpu.memory_space<semaphore_mem>>
      %dma_start3A_216 = arith.constant 0 : i32
      %dma_start3A_217 = tpu.memref_slice %arg4[%add3A_215, %dma_start3A_216] : memref<69632x128xf32, #tpu.memory_space<hbm>> -> memref<128x128xf32, #tpu.memory_space<hbm>>
      %dma_start3A_218 = arith.constant 0 : i32
      %dma_start3A_219 = tpu.memref_slice %arg4[%add3A_215, %dma_start3A_218] : memref<69632x128xf32, #tpu.memory_space<hbm>> -> memref<128x128xf32, #tpu.memory_space<hbm>>
      tpu.enqueue_dma source(%arg7 : memref<128x128xf32, #tpu.memory_space<vmem>>) target(%dma_start3A_219 : memref<128x128xf32, #tpu.memory_space<hbm>>) target_semaphore(%run_scoped3A : memref<!tpu.dma_semaphore, #tpu.memory_space<semaphore_mem>>)
      %dma_wait3A_220 = arith.constant 0 : i32
      %dma_wait3A_221 = tpu.memref_slice %arg4[%add3A_215, %dma_wait3A_220] : memref<69632x128xf32, #tpu.memory_space<hbm>> -> memref<128x128xf32, #tpu.memory_space<hbm>>
      %dma_wait3A_222 = arith.constant 0 : i32
      %dma_wait3A_223 = tpu.memref_slice %arg4[%add3A_215, %dma_wait3A_222] : memref<69632x128xf32, #tpu.memory_space<hbm>> -> memref<128x128xf32, #tpu.memory_space<hbm>>
      tpu.wait_dma2 semaphore(%run_scoped3A : memref<!tpu.dma_semaphore, #tpu.memory_space<semaphore_mem>>) src(%arg7 : memref<128x128xf32, #tpu.memory_space<vmem>>) dst(%dma_wait3A_223 : memref<128x128xf32, #tpu.memory_space<hbm>>)
      tpu.yield
    }) : () -> ()
    return
  }
}

module attributes {stable_mosaic.version = 14 : i64} {
  func.func @_prep_body(%arg0: memref<2x32768xf32, #tpu.memory_space<vmem>>, %arg1: memref<1x32768xi32, #tpu.memory_space<vmem>>) attributes {dimension_semantics = [], scalar_prefetch = 0 : i64, scratch_operands = 0 : i64, tpu.core_type = #tpu.core_type<tc>} {
    %get3A = arith.constant 0 : index
    %get3A_0 = arith.constant 0 : index
    %get3A_1 = vector.load %arg0[%get3A, %get3A_0] : memref<2x32768xf32, #tpu.memory_space<vmem>>, vector<2x32768xf32>
    %jit3A = arith.constant -1.000000e+01 : f32
    %jit3A_2 = arith.constant 1.000000e+01 : f32
    %max3A = vector.broadcast %jit3A : f32 to vector<2x32768xf32>
    %max3A_3 = arith.maximumf %max3A, %get3A_1 : vector<2x32768xf32>
    %min3A = vector.broadcast %jit3A_2 : f32 to vector<2x32768xf32>
    %min3A_4 = arith.minimumf %min3A, %max3A_3 : vector<2x32768xf32>
    %logistic3A = arith.negf %min3A_4 : vector<2x32768xf32>
    %logistic3A_5 = math.exp %logistic3A : vector<2x32768xf32>
    %logistic3A_6 = arith.constant 1.000000e+00 : f32
    %logistic3A_7 = vector.broadcast %logistic3A_6 : f32 to vector<2x32768xf32>
    %logistic3A_8 = arith.addf %logistic3A_7, %logistic3A_5 : vector<2x32768xf32>
    %logistic3A_9 = arith.divf %logistic3A_7, %logistic3A_8 : vector<2x32768xf32>
    %reduce_min3A = arith.constant dense<0x7F800000> : vector<2xf32>
    %reduce_min3A_10 = vector.multi_reduction <minimumf>, %logistic3A_9, %reduce_min3A [1] : vector<2x32768xf32> to vector<2xf32>
    %broadcast_in_dim3A = vector.shape_cast %reduce_min3A_10 : vector<2xf32> to vector<2x1xf32>
    %div3A = arith.constant 1.000000e+00 : f32
    %div3A_11 = arith.constant 1.280000e+02 : f32
    %div3A_12 = arith.divf %div3A, %div3A_11 : f32
    %sub3A = vector.broadcast %broadcast_in_dim3A : vector<2x1xf32> to vector<2x32768xf32>
    %sub3A_13 = arith.subf %logistic3A_9, %sub3A : vector<2x32768xf32>
    %div3A_14 = vector.broadcast %div3A_12 : f32 to vector<2x32768xf32>
    %div3A_15 = arith.divf %sub3A_13, %div3A_14 : vector<2x32768xf32>
    %convert_element_type3A = arith.fptosi %div3A_15 : vector<2x32768xf32> to vector<2x32768xi32>
    %slice3A = vector.extract_strided_slice %convert_element_type3A {offsets = [0, 0], sizes = [1, 32768], strides = [1, 1]} : vector<2x32768xi32> to vector<1x32768xi32>
    %slice3A_16 = vector.extract_strided_slice %convert_element_type3A {offsets = [1, 0], sizes = [1, 32768], strides = [1, 1]} : vector<2x32768xi32> to vector<1x32768xi32>
    %iota3A = tpu.iota {dimensions = array<i32: 1>} : vector<1x32768xi32>
    %shift_right_logical3A = arith.constant 13 : i32
    %shift_right_logical3A_17 = vector.broadcast %shift_right_logical3A : i32 to vector<1x32768xi32>
    %shift_right_logical3A_18 = arith.shrui %iota3A, %shift_right_logical3A_17 : vector<1x32768xi32>
    %mul3A = arith.constant 17161 : i32
    %mul3A_19 = vector.broadcast %mul3A : i32 to vector<1x32768xi32>
    %mul3A_20 = arith.muli %shift_right_logical3A_18, %mul3A_19 : vector<1x32768xi32>
    %add3A = arith.constant 1 : i32
    %add3A_21 = vector.broadcast %add3A : i32 to vector<1x32768xi32>
    %add3A_22 = arith.addi %slice3A, %add3A_21 : vector<1x32768xi32>
    %mul3A_23 = arith.constant 131 : i32
    %mul3A_24 = vector.broadcast %mul3A_23 : i32 to vector<1x32768xi32>
    %mul3A_25 = arith.muli %add3A_22, %mul3A_24 : vector<1x32768xi32>
    %add3A_26 = arith.addi %mul3A_20, %mul3A_25 : vector<1x32768xi32>
    %add3A_27 = arith.constant 1 : i32
    %add3A_28 = vector.broadcast %add3A_27 : i32 to vector<1x32768xi32>
    %add3A_29 = arith.addi %slice3A_16, %add3A_28 : vector<1x32768xi32>
    %add3A_30 = arith.addi %add3A_26, %add3A_29 : vector<1x32768xi32>
    %swap3A = arith.constant 0 : index
    %swap3A_31 = arith.constant 0 : index
    %swap3A_32 = vector.load %arg1[%swap3A, %swap3A_31] : memref<1x32768xi32, #tpu.memory_space<vmem>>, vector<1x32768xi32>
    tpu.vector_store %arg1[%swap3A, %swap3A_31], %add3A_30 {strides = array<i32>} : memref<1x32768xi32, #tpu.memory_space<vmem>>, vector<1x32768xi32>,
    return
  }
}

module attributes {stable_mosaic.version = 14 : i64} {
  func.func @_conv_body(%arg0: i32, %arg1: memref<69632x128xf32, #tpu.memory_space<any>>, %arg2: memref<9x128x128xf32, #tpu.memory_space<vmem>>, %arg3: memref<512x128xf32, #tpu.memory_space<vmem>>, %arg4: memref<776x128xf32, #tpu.memory_space<vmem>>, %arg5: memref<!tpu.dma_semaphore, #tpu.memory_space<semaphore_mem>>) attributes {dimension_semantics = [#tpu.dimension_semantics<arbitrary>], iteration_bounds = array<i64: 135>, scalar_prefetch = 0 : i64, scratch_operands = 2 : i64, tpu.core_type = #tpu.core_type<tc>, window_params = [{}, {pipeline_mode = #tpu.pipeline_mode<synchronous>, transform_indices = @transform_1, window_bounds = array<i64: 9, 128, 128>}, {transform_indices = @transform_2, window_bounds = array<i64: 512, 128>}]} {
    %mul3A = arith.constant 512 : i32
    %mul3A_0 = arith.muli %arg0, %mul3A : i32
    %dma_start3A = arith.constant 0 : i32
    %dma_start3A_1 = tpu.memref_slice %arg1[%mul3A_0, %dma_start3A] : memref<69632x128xf32, #tpu.memory_space<any>> -> memref<776x128xf32, #tpu.memory_space<any>>
    tpu.enqueue_dma source(%dma_start3A_1 : memref<776x128xf32, #tpu.memory_space<any>>) target(%arg4 : memref<776x128xf32, #tpu.memory_space<vmem>>) target_semaphore(%arg5 : memref<!tpu.dma_semaphore, #tpu.memory_space<semaphore_mem>>)
    %dma_wait3A = arith.constant 0 : i32
    %dma_wait3A_2 = tpu.memref_slice %arg1[%mul3A_0, %dma_wait3A] : memref<69632x128xf32, #tpu.memory_space<any>> -> memref<776x128xf32, #tpu.memory_space<any>>
    tpu.wait_dma2 semaphore(%arg5 : memref<!tpu.dma_semaphore, #tpu.memory_space<semaphore_mem>>) src(%dma_wait3A_2 : memref<776x128xf32, #tpu.memory_space<any>>) dst(%arg4 : memref<776x128xf32, #tpu.memory_space<vmem>>)
    %broadcast_in_dim3A = arith.constant 0.000000e+00 : f32
    %broadcast_in_dim3A_3 = vector.broadcast %broadcast_in_dim3A : f32 to vector<512x128xf32>
    %get3A = arith.constant 0 : index
    %get3A_4 = arith.constant 0 : index
    %get3A_5 = vector.load %arg4[%get3A, %get3A_4] : memref<776x128xf32, #tpu.memory_space<vmem>>, vector<512x128xf32>
    %get3A_6 = arith.constant 0 : index
    %get3A_7 = arith.constant 0 : index
    %get3A_8 = arith.constant 0 : index
    %get3A_9 = vector.load %arg2[%get3A_6, %get3A_7, %get3A_8] : memref<9x128x128xf32, #tpu.memory_space<vmem>>, vector<1x128x128xf32>
    %get3A_10 = vector.shape_cast %get3A_9 : vector<1x128x128xf32> to vector<128x128xf32>
    %dot_general3A = arith.constant dense<0.000000e+00> : vector<512x128xf32>
    %dot_general3A_11 = tpu.matmul %get3A_5, %get3A_10, %dot_general3A {dimension_numbers = #tpu.dot_dimension_numbers<[1], [0], [0], [1], [0, 0, 1, 1], [], []>, transpose_lhs_hint = false} : vector<512x128xf32>, vector<128x128xf32>, vector<512x128xf32> -> vector<512x128xf32>
    %add3A = arith.addf %broadcast_in_dim3A_3, %dot_general3A_11 : vector<512x128xf32>
    %get3A_12 = arith.constant 1 : index
    %get3A_13 = arith.constant 0 : index
    %get3A_14 = vector.load %arg4[%get3A_12, %get3A_13] : memref<776x128xf32, #tpu.memory_space<vmem>>, vector<512x128xf32>
    %get3A_15 = arith.constant 1 : index
    %get3A_16 = arith.constant 0 : index
    %get3A_17 = arith.constant 0 : index
    %get3A_18 = vector.load %arg2[%get3A_15, %get3A_16, %get3A_17] : memref<9x128x128xf32, #tpu.memory_space<vmem>>, vector<1x128x128xf32>
    %get3A_19 = vector.shape_cast %get3A_18 : vector<1x128x128xf32> to vector<128x128xf32>
    %dot_general3A_20 = arith.constant dense<0.000000e+00> : vector<512x128xf32>
    %dot_general3A_21 = tpu.matmul %get3A_14, %get3A_19, %dot_general3A_20 {dimension_numbers = #tpu.dot_dimension_numbers<[1], [0], [0], [1], [0, 0, 1, 1], [], []>, transpose_lhs_hint = false} : vector<512x128xf32>, vector<128x128xf32>, vector<512x128xf32> -> vector<512x128xf32>
    %add3A_22 = arith.addf %add3A, %dot_general3A_21 : vector<512x128xf32>
    %get3A_23 = arith.constant 2 : index
    %get3A_24 = arith.constant 0 : index
    %get3A_25 = vector.load %arg4[%get3A_23, %get3A_24] : memref<776x128xf32, #tpu.memory_space<vmem>>, vector<512x128xf32>
    %get3A_26 = arith.constant 2 : index
    %get3A_27 = arith.constant 0 : index
    %get3A_28 = arith.constant 0 : index
    %get3A_29 = vector.load %arg2[%get3A_26, %get3A_27, %get3A_28] : memref<9x128x128xf32, #tpu.memory_space<vmem>>, vector<1x128x128xf32>
    %get3A_30 = vector.shape_cast %get3A_29 : vector<1x128x128xf32> to vector<128x128xf32>
    %dot_general3A_31 = arith.constant dense<0.000000e+00> : vector<512x128xf32>
    %dot_general3A_32 = tpu.matmul %get3A_25, %get3A_30, %dot_general3A_31 {dimension_numbers = #tpu.dot_dimension_numbers<[1], [0], [0], [1], [0, 0, 1, 1], [], []>, transpose_lhs_hint = false} : vector<512x128xf32>, vector<128x128xf32>, vector<512x128xf32> -> vector<512x128xf32>
    %add3A_33 = arith.addf %add3A_22, %dot_general3A_32 : vector<512x128xf32>
    %get3A_34 = arith.constant 131 : index
    %get3A_35 = arith.constant 0 : index
    %get3A_36 = vector.load %arg4[%get3A_34, %get3A_35] : memref<776x128xf32, #tpu.memory_space<vmem>>, vector<512x128xf32>
    %get3A_37 = arith.constant 3 : index
    %get3A_38 = arith.constant 0 : index
    %get3A_39 = arith.constant 0 : index
    %get3A_40 = vector.load %arg2[%get3A_37, %get3A_38, %get3A_39] : memref<9x128x128xf32, #tpu.memory_space<vmem>>, vector<1x128x128xf32>
    %get3A_41 = vector.shape_cast %get3A_40 : vector<1x128x128xf32> to vector<128x128xf32>
    %dot_general3A_42 = arith.constant dense<0.000000e+00> : vector<512x128xf32>
    %dot_general3A_43 = tpu.matmul %get3A_36, %get3A_41, %dot_general3A_42 {dimension_numbers = #tpu.dot_dimension_numbers<[1], [0], [0], [1], [0, 0, 1, 1], [], []>, transpose_lhs_hint = false} : vector<512x128xf32>, vector<128x128xf32>, vector<512x128xf32> -> vector<512x128xf32>
    %add3A_44 = arith.addf %add3A_33, %dot_general3A_43 : vector<512x128xf32>
    %get3A_45 = arith.constant 132 : index
    %get3A_46 = arith.constant 0 : index
    %get3A_47 = vector.load %arg4[%get3A_45, %get3A_46] : memref<776x128xf32, #tpu.memory_space<vmem>>, vector<512x128xf32>
    %get3A_48 = arith.constant 4 : index
    %get3A_49 = arith.constant 0 : index
    %get3A_50 = arith.constant 0 : index
    %get3A_51 = vector.load %arg2[%get3A_48, %get3A_49, %get3A_50] : memref<9x128x128xf32, #tpu.memory_space<vmem>>, vector<1x128x128xf32>
    %get3A_52 = vector.shape_cast %get3A_51 : vector<1x128x128xf32> to vector<128x128xf32>
    %dot_general3A_53 = arith.constant dense<0.000000e+00> : vector<512x128xf32>
    %dot_general3A_54 = tpu.matmul %get3A_47, %get3A_52, %dot_general3A_53 {dimension_numbers = #tpu.dot_dimension_numbers<[1], [0], [0], [1], [0, 0, 1, 1], [], []>, transpose_lhs_hint = false} : vector<512x128xf32>, vector<128x128xf32>, vector<512x128xf32> -> vector<512x128xf32>
    %add3A_55 = arith.addf %add3A_44, %dot_general3A_54 : vector<512x128xf32>
    %get3A_56 = arith.constant 133 : index
    %get3A_57 = arith.constant 0 : index
    %get3A_58 = vector.load %arg4[%get3A_56, %get3A_57] : memref<776x128xf32, #tpu.memory_space<vmem>>, vector<512x128xf32>
    %get3A_59 = arith.constant 5 : index
    %get3A_60 = arith.constant 0 : index
    %get3A_61 = arith.constant 0 : index
    %get3A_62 = vector.load %arg2[%get3A_59, %get3A_60, %get3A_61] : memref<9x128x128xf32, #tpu.memory_space<vmem>>, vector<1x128x128xf32>
    %get3A_63 = vector.shape_cast %get3A_62 : vector<1x128x128xf32> to vector<128x128xf32>
    %dot_general3A_64 = arith.constant dense<0.000000e+00> : vector<512x128xf32>
    %dot_general3A_65 = tpu.matmul %get3A_58, %get3A_63, %dot_general3A_64 {dimension_numbers = #tpu.dot_dimension_numbers<[1], [0], [0], [1], [0, 0, 1, 1], [], []>, transpose_lhs_hint = false} : vector<512x128xf32>, vector<128x128xf32>, vector<512x128xf32> -> vector<512x128xf32>
    %add3A_66 = arith.addf %add3A_55, %dot_general3A_65 : vector<512x128xf32>
    %get3A_67 = arith.constant 262 : index
    %get3A_68 = arith.constant 0 : index
    %get3A_69 = vector.load %arg4[%get3A_67, %get3A_68] : memref<776x128xf32, #tpu.memory_space<vmem>>, vector<512x128xf32>
    %get3A_70 = arith.constant 6 : index
    %get3A_71 = arith.constant 0 : index
    %get3A_72 = arith.constant 0 : index
    %get3A_73 = vector.load %arg2[%get3A_70, %get3A_71, %get3A_72] : memref<9x128x128xf32, #tpu.memory_space<vmem>>, vector<1x128x128xf32>
    %get3A_74 = vector.shape_cast %get3A_73 : vector<1x128x128xf32> to vector<128x128xf32>
    %dot_general3A_75 = arith.constant dense<0.000000e+00> : vector<512x128xf32>
    %dot_general3A_76 = tpu.matmul %get3A_69, %get3A_74, %dot_general3A_75 {dimension_numbers = #tpu.dot_dimension_numbers<[1], [0], [0], [1], [0, 0, 1, 1], [], []>, transpose_lhs_hint = false} : vector<512x128xf32>, vector<128x128xf32>, vector<512x128xf32> -> vector<512x128xf32>
    %add3A_77 = arith.addf %add3A_66, %dot_general3A_76 : vector<512x128xf32>
    %get3A_78 = arith.constant 263 : index
    %get3A_79 = arith.constant 0 : index
    %get3A_80 = vector.load %arg4[%get3A_78, %get3A_79] : memref<776x128xf32, #tpu.memory_space<vmem>>, vector<512x128xf32>
    %get3A_81 = arith.constant 7 : index
    %get3A_82 = arith.constant 0 : index
    %get3A_83 = arith.constant 0 : index
    %get3A_84 = vector.load %arg2[%get3A_81, %get3A_82, %get3A_83] : memref<9x128x128xf32, #tpu.memory_space<vmem>>, vector<1x128x128xf32>
    %get3A_85 = vector.shape_cast %get3A_84 : vector<1x128x128xf32> to vector<128x128xf32>
    %dot_general3A_86 = arith.constant dense<0.000000e+00> : vector<512x128xf32>
    %dot_general3A_87 = tpu.matmul %get3A_80, %get3A_85, %dot_general3A_86 {dimension_numbers = #tpu.dot_dimension_numbers<[1], [0], [0], [1], [0, 0, 1, 1], [], []>, transpose_lhs_hint = false} : vector<512x128xf32>, vector<128x128xf32>, vector<512x128xf32> -> vector<512x128xf32>
    %add3A_88 = arith.addf %add3A_77, %dot_general3A_87 : vector<512x128xf32>
    %get3A_89 = arith.constant 264 : index
    %get3A_90 = arith.constant 0 : index
    %get3A_91 = vector.load %arg4[%get3A_89, %get3A_90] : memref<776x128xf32, #tpu.memory_space<vmem>>, vector<512x128xf32>
    %get3A_92 = arith.constant 8 : index
    %get3A_93 = arith.constant 0 : index
    %get3A_94 = arith.constant 0 : index
    %get3A_95 = vector.load %arg2[%get3A_92, %get3A_93, %get3A_94] : memref<9x128x128xf32, #tpu.memory_space<vmem>>, vector<1x128x128xf32>
    %get3A_96 = vector.shape_cast %get3A_95 : vector<1x128x128xf32> to vector<128x128xf32>
    %dot_general3A_97 = arith.constant dense<0.000000e+00> : vector<512x128xf32>
    %dot_general3A_98 = tpu.matmul %get3A_91, %get3A_96, %dot_general3A_97 {dimension_numbers = #tpu.dot_dimension_numbers<[1], [0], [0], [1], [0, 0, 1, 1], [], []>, transpose_lhs_hint = false} : vector<512x128xf32>, vector<128x128xf32>, vector<512x128xf32> -> vector<512x128xf32>
    %add3A_99 = arith.addf %add3A_88, %dot_general3A_98 : vector<512x128xf32>
    %swap3A = arith.constant 0 : index
    %swap3A_100 = arith.constant 0 : index
    %swap3A_101 = vector.load %arg3[%swap3A, %swap3A_100] : memref<512x128xf32, #tpu.memory_space<vmem>>, vector<512x128xf32>
    tpu.vector_store %arg3[%swap3A, %swap3A_100], %add3A_99 {strides = array<i32>} : memref<512x128xf32, #tpu.memory_space<vmem>>, vector<512x128xf32>,
    return
  }
  func.func @transform_1(%arg0: i32) -> (i32, i32, i32) {
    %c0_i32 = arith.constant 0 : i32
    %c0_i32_0 = arith.constant 0 : i32
    %c0_i32_1 = arith.constant 0 : i32
    %c0_i32_2 = arith.constant 0 : i32
    return %c0_i32, %c0_i32_0, %c0_i32_1 : i32, i32, i32
  }
  func.func @transform_2(%arg0: i32) -> (i32, i32) {
    %c0_i32 = arith.constant 0 : i32
    %c0_i32_0 = arith.constant 0 : i32
    return %arg0, %c0_i32 : i32, i32
  }
}

</mosaic_0001>

<sc_bundles>
// kernel: kernel.6.cloned.1.call-start
scs
__scs_entry_jumppad:
0x0: {  	(pc) =	sbr.rel $0x88, $3  }
0x1: {  	(tag) =	ssettag $0x0;
	lr =	simm.s32 $0x1  }
0x2: {  	[smem:$0x3F9E] =	sst lr;
	_ =	strace $0xD0000000  }
0x3: {  	_ = 	snop  }
0x4: {  	_ = 	snop  }
0x5: {  	_ = 	snop  }
0x6: {  	_ = 	snop  }
0x7: {  	_ = 	snop  }
__scs_overlays_trampoline_lowered:
0x8: {  	[smem:$0x3FAD] =	sst s0  }
0x9: {  	[smem:$0x3FAE] =	sst s1  }
0xa: {  	[smem:$0x3FAF] =	sst s2  }
0xb: {  	[smem:$0x3FB0] =	sst s3  }
0xc: {  	[smem:$0x3FB1] =	sst s4  }
0xd: {  	[smem:$0x3FB2] =	sst s5  }
0xe: {  	[smem:$0x3FB3] =	sst s6  }
0xf: {  	[smem:$0x3FB4] =	sst s7  }
0x10: {  	[smem:$0x3FB5] =	sst s8  }
0x11: {  	[smem:$0x3FB6] =	sst s9;
	s0 =	simm.s32 @!p0 $0x0  }
0x12: {  	s1 =	sld [smem:$0x3F9C];
	s0 =	simm.s32 @p0 $0x1  }
0x13: {  	[smem:$0x3FB7] =	sst s0;
	s0 =	simm.s32 @!p1 $0x0  }
0x14: {  	s2 =	sld [smem:$0x3F9B];
	s0 =	simm.s32 @p1 $0x1  }
0x15: {  	[smem:$0x3FB8] =	sst s0;
	s0 =	simm.s32 @!p2 $0x0  }
0x16: {  	s3 =	sld [smem:$0x3FDB];
	s0 =	simm.s32 @p2 $0x1  }
0x17: {  	s4 =	simm.s32 $0x1BF5;
	[smem:$0x3FBA] =	sst s0  }
0x18: {  	s0 =	sld [smem:$0x3F9D];
	_ =	swait.ge [sflag:s4], $0x0  }
0x19: {  	s7 =	sld [smem:$0x3F9E]  }
0x1a: {  	s8 =	sadd.s32 $0xFFFFE003, lr  }
0x1b: {  	s9 =	sadd.s32 $0xFFFFFEF7, lr;
	s5 =	simm.s32 $0xFFFFFFFF;
	p2 =	slt.u32 s8, $0xFFFFF086  }
0x1c: {  	p1 =	slt.u32 s9, $0xF7A;
	s5 =	simm.s32 @!p2 $0x0  }
0x1d: {  	s5 =	simm.s32 @p1 $0x1;
	p0 =	seq.s32 s7, s2  }
0x1e: {  	s7 =	smul.u32 @!p0 $0xF7A, s2;
	p2 =	seq.s32 @!p0 s5, $0x0  }
0x1f: {  	s9 =	smul.u32 $0xF7A, s1;
	s8 =	simm.s32 @!p0 $0x1BF5;
	p2 =	por !p2, p0  }
0x20: {  	[sflag:s8] =	ssyncset.s32 @!p0 $0xFFFFF086;
	s6 =	sadd.s32 @!p0 s3, s7;
	s7 =	simm.s32 @!p0 $0x108  }
0x21: {  	s3 =	sadd.s32 s3, s9;
	s6 =	sadd.s32 @!p0 $0x88, s6;
	s7 =	simm.s32 @p2 $0x1082  }
0x22: {  	[simem:s7], [sflag:s8] =	dma.local @!p0 [hbm:s6], $0xF7A  }
0x23: {  	s9 =	sor.u32 $0xD0000000, s2;
	s6 =	simm.s32 $0x108;
	_ =	swait.ge @!p0 [sflag:s8], $0x0  }
0x24: {  	s3 =	sadd.s32 $0x88, s3;
	s6 =	simm.s32 @!p1 $0x1082;
	[sflag:s4] =	ssyncset.s32 $0xFFFFF086  }
0x25: {  	[simem:s6], [sflag:s4] =	dma.local [hbm:s3], $0xF7A  }
0x26: {  	[smem:$0x3F9E] =	sst s1;
	(tag) =	ssettag s2;
	_ =	strace s9  }
0x27: {  	s1 =	sld [smem:$0x3FAE]  }
0x28: {  	s2 =	sld [smem:$0x3FAF]  }
0x29: {  	s4 =	sld [smem:$0x3FB1]  }
0x2a: {  	p0 =	seq.s32 s5, $0x0;
	s5 =	sld [smem:$0x3FB2]  }
0x2b: {  	s6 =	sld [smem:$0x3FB3]  }
0x2c: {  	s7 =	sld [smem:$0x3FB4]  }
0x2d: {  	s3 =	simm.s32 $0x108;
	s8 =	sld [smem:$0x3FB5]  }
0x2e: {  	s3 =	simm.s32 @!p0 $0x1082;
	s9 =	sld [smem:$0x3FB6]  }
0x2f: {  	lr =	sadd.s32 s0, s3;
	s0 =	sld [smem:$0x3FAD]  }
0x30: {  	s3 =	sld [smem:$0x3FB0]  }
0x31: {  	[smem:$0x3FB9] =	sst s10  }
0x32: {  	s10 =	sld [smem:$0x3FB7];
	_ =	sdelay $0x3  }
0x33: {  	p0 =	seq.s32 s10, $0x1;
	s10 =	sld [smem:$0x3FB9];
	_ =	sdelay $0x3  }
0x34: {  	[smem:$0x3FB9] =	sst s10  }
0x35: {  	s10 =	sld [smem:$0x3FB8];
	_ =	sdelay $0x3  }
0x36: {  	p1 =	seq.s32 s10, $0x1;
	s10 =	sld [smem:$0x3FB9];
	_ =	sdelay $0x3  }
0x37: {  	[smem:$0x3FB9] =	sst s10  }
0x38: {  	s10 =	sld [smem:$0x3FBA]  }
0x39: {  	_ = 	snop;
	(pc) =	sbr.ind lr, $3  }
0x3a: {  	_ = 	snop  }
0x3b: {  	_ = 	snop  }
0x3c: {  	p2 =	seq.s32 s10, $0x1;
	s10 =	sld [smem:$0x3FB9]  }
0x3d: {  	_ =	shalt  }
0x3e: {  	_ =	shalt  }
0x3f: {  	_ =	shalt  }
0x40: {  	_ =	shalt  }
0x41: {  	_ =	shalt  }
0x42: {  	_ =	shalt  }
0x43: {  	_ =	shalt  }
0x44: {  	_ =	shalt  }
0x45: {  	_ =	shalt  }
0x46: {  	_ =	shalt  }
0x47: {  	_ =	shalt  }
0x48: {  	_ =	shalt  }
0x49: {  	_ =	shalt  }
0x4a: {  	_ =	shalt  }
0x4b: {  	_ =	shalt  }
0x4c: {  	_ =	shalt  }
0x4d: {  	_ =	shalt  }
0x4e: {  	_ =	shalt  }
0x4f: {  	_ =	shalt  }
0x50: {  	_ =	shalt  }
0x51: {  	_ =	shalt  }
0x52: {  	_ =	shalt  }
0x53: {  	_ =	shalt  }
0x54: {  	_ =	shalt  }
0x55: {  	_ =	shalt  }
0x56: {  	_ =	shalt  }
0x57: {  	_ =	shalt  }
0x58: {  	_ =	shalt  }
0x59: {  	_ =	shalt  }
0x5a: {  	_ =	shalt  }
0x5b: {  	_ =	shalt  }
0x5c: {  	_ =	shalt  }
0x5d: {  	_ =	shalt  }
0x5e: {  	_ =	shalt  }
0x5f: {  	_ =	shalt  }
0x60: {  	_ =	shalt  }
0x61: {  	_ =	shalt  }
0x62: {  	_ =	shalt  }
0x63: {  	_ =	shalt  }
0x64: {  	_ =	shalt  }
0x65: {  	_ =	shalt  }
0x66: {  	_ =	shalt  }
0x67: {  	_ =	shalt  }
0x68: {  	_ =	shalt  }
0x69: {  	_ =	shalt  }
0x6a: {  	_ =	shalt  }
0x6b: {  	_ =	shalt  }
0x6c: {  	_ =	shalt  }
0x6d: {  	_ =	shalt  }
0x6e: {  	_ =	shalt  }
0x6f: {  	_ =	shalt  }
0x70: {  	_ =	shalt  }
0x71: {  	_ =	shalt  }
0x72: {  	_ =	shalt  }
0x73: {  	_ =	shalt  }
0x74: {  	_ =	shalt  }
0x75: {  	_ =	shalt  }
0x76: {  	_ =	shalt  }
0x77: {  	_ =	shalt  }
0x78: {  	_ =	shalt  }
0x79: {  	_ =	shalt  }
0x7a: {  	_ =	shalt  }
0x7b: {  	_ =	shalt  }
0x7c: {  	_ =	shalt  }
0x7d: {  	_ =	shalt  }
0x7e: {  	_ =	shalt  }
0x7f: {  	_ =	shalt  }
0x80: {  	_ =	shalt  }
0x81: {  	_ =	shalt  }
0x82: {  	_ =	shalt  }
0x83: {  	_ =	shalt  }
0x84: {  	_ =	shalt  }
0x85: {  	_ =	shalt  }
0x86: {  	_ =	shalt  }
0x87: {  	_ =	shalt  }
.Lfunc_end0:
.L_simem_size_0:
called_computation_lowered:
.L_overlay_start_0:
0x88: {  	s2 =	sld [smem:$0x3FD9]  }
0x89: {  	s3 =	sld [smem:$0x3FFE];
	_ =	sdelay $0x1  }
0x8a: {  	s1 =	srdreg.scid  }
0x8b: {  	s0 =	sand.u32 $0x1, s1  }
0x8c: {  	s16 =	sshll.u32 s0, $0xA;
	s2 =	sadd.s32 s3, s2  }
0x8d: {  	s2 =	sadd.s32 s2, s16  }
0x8e: {  	[smem:$0x3FC5] =	sst s2  }
0x8f: {  	_ = 	snop  }
0x90: {  	(tm) =	ssettm $0x1  }
0x91: {  	s17 =	sld [smem:$0x3FFB];
	_ =	sdelay $0x3  }
0x92: {  	_ =	strace s17  }
0x93: {  	s2 =	sld [smem:$0x3FFC];
	_ =	sdelay $0x3  }
0x94: {  	_ =	strace s2  }
0x95: {  	s2 =	sld [smem:$0x3FFD];
	_ =	sdelay $0x3  }
0x96: {  	_ =	strace s2  }
0x97: {  	_ =	strace $0x8FFFFFFF  }
0x98: {  	s18 =	sld [smem:$0x3FDB];
	_ =	sdelay $0x1  }
0x99: {  	s19 =	simm.s32 $_scs_section_size  }
0x9a: {  	s4 =	simm.s32 $_size__tile_overlayer_lowered;
	s5 =	simm.s32 $_tile_overlayer_lowered  }
0x9b: {  	s22 =	simm.s32 $0x1BFF;
	s21 =	sshll.u32 s5, $0x1;
	s2 =	sadd.s32 s19, s18  }
0x9c: {  	s6 =	simm.s32 $0x0;
	s20 =	sshll.u32 s4, $0x1;
	s4 =	sadd.s32 s21, s2  }
0x9d: {  	[timem:s6], [sflag:s22] =	dma.local [hbm:s4], s20  }
0x9e: {  	_ =	swait.ge [sflag:s22], s20  }
0x9f: {  	s3 =	ssub.s32 $0x0, s20;
	[sflag:s22] =	ssyncset.done $0x0  }
0xa0: {  	[sflag:s22] =	ssyncadd.s32 s3;
	_ =	sdelay $0x1  }
0xa1: {  	s23 =	simm.s32 $0x1B8B  }
0xa2: {  	_ =	swait.ge [sflag:s23], $0x1  }
0xa3: {  	[sflag:s23] =	ssyncset.done $0x0  }
0xa4: {  	s25 =	simm.s32 $0x1B8E;
	s24 =	sld [smem:$0x3FFE];
	[sflag:s23] =	ssyncadd.s32 $0xFFFFFFFF  }
0xa5: {  	s26 =	simm.s32 $execute0_lowered;
	[smem:$0x3FD2] =	sst s25  }
0xa6: {  	s4 =	sshll.u32 s26, $0x1;
	_ =	strace $0x80000046;
	[dreg:$0x1] =	wrdreg $0xFFFFFFFF  }
0xa7: {  	s28 =	simm.s32 $_size_execute0_lowered;
	s2 =	sadd.s32 s2, s4;
	[dreg:$0x0] =	wrdreg $0x0  }
0xa8: {  	s4 =	sshll.u32 s28, $0x1;
	[dreg:$0x2] =	wrdreg s2  }
0xa9: {  	[dreg:$0x3] =	wrdreg s4  }
0xaa: {  	[dreg:$0x4] =	wrdreg $0xC0  }
0xab: {  	_ =	task [dreg:s6], $0x5FFFF  }
0xac: {  	[dreg:$0x1] =	wrdreg $0xFFFFFFFF  }
0xad: {  	[dreg:$0x0] =	wrdreg $0x60  }
0xae: {  	[dreg:$0x2] =	wrdreg s24  }
0xaf: {  	[dreg:$0x3] =	wrdreg $0x9  }
0xb0: {  	_ =	task.clear_ibuf [dreg:s6], $0x4FFFF;
	_ =	strace $0x90000046  }
0xb1: {  	s29 =	simm.s32 $0x9;
	_ =	strace $0x80000048  }
0xb2: {  	_ =	swait.ge [sflag:s29], $0x1  }
0xb3: {  	[sflag:s29] =	ssyncadd.s32 $0xFFFFFFFF  }
0xb4: {  	_ =	strace $0x90000048  }
0xb5: {  	_ =	sfence  }
0xb6: {  	s30 =	sld [smem:$0x0];
	_ =	sdelay $0x2  }
0xb7: {  	s31 =	sshll.u32 s1, $0xD;
	s1 =	sshrl.u32 s1, $0x2  }
0xb8: {  	s3 =	sand.u32 $0x4000, s31;
	s1 =	sadd.s32 s1, s30  }
0xb9: {  	s0 =	sor.u32 s3, s0;
	s1 =	sshll.u32 s1, $0x11  }
0xba: {  	s0 =	sor.u32 s1, s0  }
0xbb: {  	s0 =	sadd.s32 $0x8F2B, s0  }
0xbc: {  	[sflag:s0] =	ssyncadd.remote.s32 $0x1  }
0xbd: {  	_ =	sfence.sel $0xFFFF  }
0xbe: {  	[dreg:$0x0] =	wrdreg $0xFFFFFFFF;
	(pc) =	sbr.abs _section_cstart, $3  }
0xbf: {  	[dreg:$0x1] =	wrdreg $0xFFFFFFFF  }
0xc0: {  	_ =	task.clear_ibuf [dreg:s6], $0x2FFFF;
	_ =	strace $0x9FFFFFFF  }
0xc1: {  	(tm) =	ssettm $0x7FFFFFFF  }
tec
execute0_lowered:
.L_overlay_start_1:
0x0: {  	(tag) =	ssettag $0x1  }
0x1: {  	s0 =	rddreg [dreg:$0x0]  }
0x2: {  	s1 =	srdreg.scid;
	s3 =	stileid.u32;
	s2 =	simm.s32 $0x0  }
0x3: {  	s23 =	simm.s32 $0x2;
	s24 =	simm.s32 $0x8000;
	s25 =	simm.s32 $0x80  }
0x4: {  	s26 =	simm.s32 $0x8880;
	s1 =	sand.u32 $0x1, s1;
	s3 =	sshll.u32 s3, $0x1  }
0x5: {  	s28 =	simm.s32 $0x1;
	s30 =	simm.s32 $0x0;
	s5 =	sor.u32 s1, s3  }
0x6: {  	[smem:$0x7FF] =	sst s2;
	s4 =	sadd.s32 $0x1C00, s0;
	s6 =	smul.u32 $0xFFFFF780, s5  }
0x7: {  	_ =	strace $0x80000047;
	s1 =	ssub.s32 $0x2, s1;
	s7 =	smul.u32 $0x44000, s5  }
0x8: {  	s3 =	sadd.s32 $0xC00, s0;
	s8 =	sshrl.u32 s1, $0x1;
	s5 =	smul.u32 $0x8800, s5  }
0x9: {  	s0 =	sadd.s32 $0x82000, s0;
	s1 =	ssub.s32 s1, s8;
	s7 =	sshrl.u32 s7, $0x3  }
0xa: {  	s29 =	sadd.s32 $0x84, s6;
	s5 =	sadd.s32 s0, s5;
	s0 =	sadd.s32 s0, s7  }
0xb: {  	s22 =	smax.u32 s1, $0x1;
	v0 =	vmov s29;
	s29 =	simm.s32 $0x8800;
	s6 =	sadd.s32 $0x800, s0  }
0xc: {  	s7 =	sadd.s32 $0x1000, s0;
	s8 =	sadd.s32 $0x1800, s0;
	s9 =	sadd.s32 $0x2000, s0  }
0xd: {  	s10 =	sadd.s32 $0x2800, s0;
	s11 =	sadd.s32 $0x3000, s0;
	s12 =	sadd.s32 $0x3800, s0  }
0xe: {  	s13 =	sadd.s32 $0x4000, s0;
	s14 =	sadd.s32 $0x4800, s0;
	s15 =	sadd.s32 $0x5000, s0  }
0xf: {  	s16 =	sadd.s32 $0x5800, s0;
	s17 =	sadd.s32 $0x6000, s0;
	s18 =	sadd.s32 $0x6800, s0  }
0x10: {  	v1 =	vlaneseq.u32;
	s19 =	sadd.s32 $0x7000, s0;
	s20 =	sadd.s32 $0x7800, s0;
	s21 =	sadd.s32 $0x8000, s0  }
.LBB2_1:
0x11: {  	[tilespmem:s2], [sflag:$0x2] =	stream.linear.gather [hbm4b:s3+s2], $0x8000, $0x38;
	[tilespmem:$0xC880] =	vst v63  }
0x12: {  	_ =	swait.ge [sflag:s23], $0x8000  }
0x13: {  	[sflag:s23] =	ssyncset.done $0x0  }
0x14: {  	s0 =	simm.s32 $0x0;
	[sflag:s23] =	ssyncadd.s32 $0xFFFF8000  }
.LBB2_2:
0x15: {  	v2 =	vor.u32 s0, v1;
	p0 =	sne.s32 s0, $0x870  }
.Ltmp0:
0x16: {  	_ = 	snop;
	(pc) =	sbr.rel @p0 .LBB2_2-.Ltmp0, $4  }
0x17: {  	_ = 	snop  }
0x18: {  	v3 =	vand.u32 $0x3F, v2  }
0x19: {  	v3 =	vor.u32 $0x8000, v3  }
0x1a: {  	s0 =	sadd.s32 $0x10, s0;
	[tilespmem:v2+s24+$0x0] =	vst.idx.msk $0xffff, v3  }
0x1b: {  	s31 =	simm.s32 $0x0  }
0x1c: {  	s0 =	simm.s32 $0x10;
	s1 =	simm.s32 $0x0;
	v2 =	vld [tilespmem:s31+$0x0]  }
.LBB2_4:
0x1d: {  	p0 =	sne.s32 s0, $0x7FF0;
	_ =	sdelay $0x3  }
0x1e: {  	v2 =	vadd.s32 v0, v2  }
0x1f: {  	vm0 =	vlt.u32 v2, $0x880  }
0x20: {  	v2 =	vnsel vm0, $0x0, v2;
	_ =	sdelay $0x1  }
.Ltmp1:
0x21: {  	(pc) =	sbr.rel @p0 .LBB2_4-.Ltmp1, $4  }
0x22: {  	_ = 	snop  }
0x23: {  	v3 =	vor.u32 s31, v1;
	s31 =	smov.u32 s0  }
0x24: {  	s1 =	sadd.s32 $0x10, s1;
	[tilespmem:v2+s24+$0x0] =	vst.idx.msk vm0, v3  }
0x25: {  	s0 =	sadd.s32 $0x10, s0;
	v2 =	vld [tilespmem:s1+$0x0]  }
0x26: {  	_ =	sdelay $0x3  }
0x27: {  	v2 =	vadd.s32 v0, v2  }
0x28: {  	vm0 =	vlt.u32 v2, $0x880  }
0x29: {  	v2 =	vnsel vm0, $0x0, v2;
	_ =	sdelay $0x3  }
0x2a: {  	v3 =	vor.u32 s31, v1  }
0x2b: {  	[tilespmem:v2+s24+$0x0] =	vst.idx.msk vm0, v3  }
0x2c: {  	[tilespmem:s26], [sflag:$0x1] =	stream.indirect.gather [hbm4b:s4+s25], $0x80, s24, s25, $0xb8;
	[tilespmem:$0xC880] =	vst v63  }
0x2d: {  	_ =	swait.ge [sflag:s28], $0x4000  }
0x2e: {  	[sflag:s28] =	ssyncset.done $0x0  }
0x2f: {  	[sflag:s28] =	ssyncadd.s32 $0xFFFFC000  }
0x30: {  	[hbm4b:s5+s2] =	stream.linear.scatter [tilespmem:s26], [sflag:$0x2], $0x4000, $0x38;
	[tilespmem:$0xC880] =	vst v63  }
0x31: {  	_ =	swait.ge [sflag:s23], $0x4000  }
0x32: {  	[sflag:s23] =	ssyncset.done $0x0  }
0x33: {  	s0 =	simm.s32 $0x8080;
	[sflag:s23] =	ssyncadd.s32 $0xFFFFC000  }
0x34: {  	[tilespmem:s26], [sflag:$0x1] =	stream.indirect.gather [hbm4b:s4+s25], $0x80, s0, s25, $0xb8;
	[tilespmem:$0xC880] =	vst v63  }
0x35: {  	_ =	swait.ge [sflag:s28], $0x4000  }
0x36: {  	[sflag:s28] =	ssyncset.done $0x0  }
0x37: {  	[sflag:s28] =	ssyncadd.s32 $0xFFFFC000  }
0x38: {  	[hbm4b:s6+s2] =	stream.linear.scatter [tilespmem:s26], [sflag:$0x2], $0x4000, $0x38;
	[tilespmem:$0xC880] =	vst v63  }
0x39: {  	_ =	swait.ge [sflag:s23], $0x4000  }
0x3a: {  	[sflag:s23] =	ssyncset.done $0x0  }
0x3b: {  	s1 =	simm.s32 $0x8100;
	[sflag:s23] =	ssyncadd.s32 $0xFFFFC000  }
0x3c: {  	[tilespmem:s26], [sflag:$0x1] =	stream.indirect.gather [hbm4b:s4+s25], $0x80, s1, s25, $0xb8;
	[tilespmem:$0xC880] =	vst v63  }
0x3d: {  	_ =	swait.ge [sflag:s28], $0x4000  }
0x3e: {  	[sflag:s28] =	ssyncset.done $0x0  }
0x3f: {  	[sflag:s28] =	ssyncadd.s32 $0xFFFFC000  }
0x40: {  	[hbm4b:s7+s2] =	stream.linear.scatter [tilespmem:s26], [sflag:$0x2], $0x4000, $0x38;
	[tilespmem:$0xC880] =	vst v63  }
0x41: {  	_ =	swait.ge [sflag:s23], $0x4000  }
0x42: {  	[sflag:s23] =	ssyncset.done $0x0  }
0x43: {  	s31 =	simm.s32 $0x8180;
	[sflag:s23] =	ssyncadd.s32 $0xFFFFC000  }
0x44: {  	[tilespmem:s26], [sflag:$0x1] =	stream.indirect.gather [hbm4b:s4+s25], $0x80, s31, s25, $0xb8;
	[tilespmem:$0xC880] =	vst v63  }
0x45: {  	_ =	swait.ge [sflag:s28], $0x4000  }
0x46: {  	[sflag:s28] =	ssyncset.done $0x0  }
0x47: {  	[sflag:s28] =	ssyncadd.s32 $0xFFFFC000  }
0x48: {  	[hbm4b:s8+s2] =	stream.linear.scatter [tilespmem:s26], [sflag:$0x2], $0x4000, $0x38;
	[tilespmem:$0xC880] =	vst v63  }
0x49: {  	_ =	swait.ge [sflag:s23], $0x4000  }
0x4a: {  	[sflag:s23] =	ssyncset.done $0x0  }
0x4b: {  	s1 =	simm.s32 $0x8200;
	[sflag:s23] =	ssyncadd.s32 $0xFFFFC000  }
0x4c: {  	[tilespmem:s26], [sflag:$0x1] =	stream.indirect.gather [hbm4b:s4+s25], $0x80, s1, s25, $0xb8;
	[tilespmem:$0xC880] =	vst v63  }
0x4d: {  	_ =	swait.ge [sflag:s28], $0x4000  }
0x4e: {  	[sflag:s28] =	ssyncset.done $0x0  }
0x4f: {  	[sflag:s28] =	ssyncadd.s32 $0xFFFFC000  }
0x50: {  	[hbm4b:s9+s2] =	stream.linear.scatter [tilespmem:s26], [sflag:$0x2], $0x4000, $0x38;
	[tilespmem:$0xC880] =	vst v63  }
0x51: {  	_ =	swait.ge [sflag:s23], $0x4000  }
0x52: {  	[sflag:s23] =	ssyncset.done $0x0  }
0x53: {  	s31 =	simm.s32 $0x8280;
	[sflag:s23] =	ssyncadd.s32 $0xFFFFC000  }
0x54: {  	[tilespmem:s26], [sflag:$0x1] =	stream.indirect.gather [hbm4b:s4+s25], $0x80, s31, s25, $0xb8;
	[tilespmem:$0xC880] =	vst v63  }
0x55: {  	_ =	swait.ge [sflag:s28], $0x4000  }
0x56: {  	[sflag:s28] =	ssyncset.done $0x0  }
0x57: {  	[sflag:s28] =	ssyncadd.s32 $0xFFFFC000  }
0x58: {  	[hbm4b:s10+s2] =	stream.linear.scatter [tilespmem:s26], [sflag:$0x2], $0x4000, $0x38;
	[tilespmem:$0xC880] =	vst v63  }
0x59: {  	_ =	swait.ge [sflag:s23], $0x4000  }
0x5a: {  	[sflag:s23] =	ssyncset.done $0x0  }
0x5b: {  	s1 =	simm.s32 $0x8300;
	[sflag:s23] =	ssyncadd.s32 $0xFFFFC000  }
0x5c: {  	[tilespmem:s26], [sflag:$0x1] =	stream.indirect.gather [hbm4b:s4+s25], $0x80, s1, s25, $0xb8;
	[tilespmem:$0xC880] =	vst v63  }
0x5d: {  	_ =	swait.ge [sflag:s28], $0x4000  }
0x5e: {  	[sflag:s28] =	ssyncset.done $0x0  }
0x5f: {  	[sflag:s28] =	ssyncadd.s32 $0xFFFFC000  }
0x60: {  	[hbm4b:s11+s2] =	stream.linear.scatter [tilespmem:s26], [sflag:$0x2], $0x4000, $0x38;
	[tilespmem:$0xC880] =	vst v63  }
0x61: {  	_ =	swait.ge [sflag:s23], $0x4000  }
0x62: {  	[sflag:s23] =	ssyncset.done $0x0  }
0x63: {  	s31 =	simm.s32 $0x8380;
	[sflag:s23] =	ssyncadd.s32 $0xFFFFC000  }
0x64: {  	[tilespmem:s26], [sflag:$0x1] =	stream.indirect.gather [hbm4b:s4+s25], $0x80, s31, s25, $0xb8;
	[tilespmem:$0xC880] =	vst v63  }
0x65: {  	_ =	swait.ge [sflag:s28], $0x4000  }
0x66: {  	[sflag:s28] =	ssyncset.done $0x0  }
0x67: {  	[sflag:s28] =	ssyncadd.s32 $0xFFFFC000  }
0x68: {  	[hbm4b:s12+s2] =	stream.linear.scatter [tilespmem:s26], [sflag:$0x2], $0x4000, $0x38;
	[tilespmem:$0xC880] =	vst v63  }
0x69: {  	_ =	swait.ge [sflag:s23], $0x4000  }
0x6a: {  	[sflag:s23] =	ssyncset.done $0x0  }
0x6b: {  	s1 =	simm.s32 $0x8400;
	[sflag:s23] =	ssyncadd.s32 $0xFFFFC000  }
0x6c: {  	[tilespmem:s26], [sflag:$0x1] =	stream.indirect.gather [hbm4b:s4+s25], $0x80, s1, s25, $0xb8;
	[tilespmem:$0xC880] =	vst v63  }
0x6d: {  	_ =	swait.ge [sflag:s28], $0x4000  }
0x6e: {  	[sflag:s28] =	ssyncset.done $0x0  }
0x6f: {  	[sflag:s28] =	ssyncadd.s32 $0xFFFFC000  }
0x70: {  	[hbm4b:s13+s2] =	stream.linear.scatter [tilespmem:s26], [sflag:$0x2], $0x4000, $0x38;
	[tilespmem:$0xC880] =	vst v63  }
0x71: {  	_ =	swait.ge [sflag:s23], $0x4000  }
0x72: {  	[sflag:s23] =	ssyncset.done $0x0  }
0x73: {  	s31 =	simm.s32 $0x8480;
	[sflag:s23] =	ssyncadd.s32 $0xFFFFC000  }
0x74: {  	[tilespmem:s26], [sflag:$0x1] =	stream.indirect.gather [hbm4b:s4+s25], $0x80, s31, s25, $0xb8;
	[tilespmem:$0xC880] =	vst v63  }
0x75: {  	_ =	swait.ge [sflag:s28], $0x4000  }
0x76: {  	[sflag:s28] =	ssyncset.done $0x0  }
0x77: {  	[sflag:s28] =	ssyncadd.s32 $0xFFFFC000  }
0x78: {  	[hbm4b:s14+s2] =	stream.linear.scatter [tilespmem:s26], [sflag:$0x2], $0x4000, $0x38;
	[tilespmem:$0xC880] =	vst v63  }
0x79: {  	_ =	swait.ge [sflag:s23], $0x4000  }
0x7a: {  	[sflag:s23] =	ssyncset.done $0x0  }
0x7b: {  	s1 =	simm.s32 $0x8500;
	[sflag:s23] =	ssyncadd.s32 $0xFFFFC000  }
0x7c: {  	[tilespmem:s26], [sflag:$0x1] =	stream.indirect.gather [hbm4b:s4+s25], $0x80, s1, s25, $0xb8;
	[tilespmem:$0xC880] =	vst v63  }
0x7d: {  	_ =	swait.ge [sflag:s28], $0x4000  }
0x7e: {  	[sflag:s28] =	ssyncset.done $0x0  }
0x7f: {  	[sflag:s28] =	ssyncadd.s32 $0xFFFFC000  }
0x80: {  	[hbm4b:s15+s2] =	stream.linear.scatter [tilespmem:s26], [sflag:$0x2], $0x4000, $0x38;
	[tilespmem:$0xC880] =	vst v63  }
0x81: {  	_ =	swait.ge [sflag:s23], $0x4000  }
0x82: {  	[sflag:s23] =	ssyncset.done $0x0  }
0x83: {  	s31 =	simm.s32 $0x8580;
	[sflag:s23] =	ssyncadd.s32 $0xFFFFC000  }
0x84: {  	[tilespmem:s26], [sflag:$0x1] =	stream.indirect.gather [hbm4b:s4+s25], $0x80, s31, s25, $0xb8;
	[tilespmem:$0xC880] =	vst v63  }
0x85: {  	_ =	swait.ge [sflag:s28], $0x4000  }
0x86: {  	[sflag:s28] =	ssyncset.done $0x0  }
0x87: {  	[sflag:s28] =	ssyncadd.s32 $0xFFFFC000  }
0x88: {  	[hbm4b:s16+s2] =	stream.linear.scatter [tilespmem:s26], [sflag:$0x2], $0x4000, $0x38;
	[tilespmem:$0xC880] =	vst v63  }
0x89: {  	_ =	swait.ge [sflag:s23], $0x4000  }
0x8a: {  	[sflag:s23] =	ssyncset.done $0x0  }
0x8b: {  	s1 =	simm.s32 $0x8600;
	[sflag:s23] =	ssyncadd.s32 $0xFFFFC000  }
0x8c: {  	[tilespmem:s26], [sflag:$0x1] =	stream.indirect.gather [hbm4b:s4+s25], $0x80, s1, s25, $0xb8;
	[tilespmem:$0xC880] =	vst v63  }
0x8d: {  	_ =	swait.ge [sflag:s28], $0x4000  }
0x8e: {  	[sflag:s28] =	ssyncset.done $0x0  }
0x8f: {  	[sflag:s28] =	ssyncadd.s32 $0xFFFFC000  }
0x90: {  	[hbm4b:s17+s2] =	stream.linear.scatter [tilespmem:s26], [sflag:$0x2], $0x4000, $0x38;
	[tilespmem:$0xC880] =	vst v63  }
0x91: {  	_ =	swait.ge [sflag:s23], $0x4000  }
0x92: {  	[sflag:s23] =	ssyncset.done $0x0  }
0x93: {  	s31 =	simm.s32 $0x8680;
	[sflag:s23] =	ssyncadd.s32 $0xFFFFC000  }
0x94: {  	[tilespmem:s26], [sflag:$0x1] =	stream.indirect.gather [hbm4b:s4+s25], $0x80, s31, s25, $0xb8;
	[tilespmem:$0xC880] =	vst v63  }
0x95: {  	_ =	swait.ge [sflag:s28], $0x4000  }
0x96: {  	[sflag:s28] =	ssyncset.done $0x0  }
0x97: {  	[sflag:s28] =	ssyncadd.s32 $0xFFFFC000  }
0x98: {  	[hbm4b:s18+s2] =	stream.linear.scatter [tilespmem:s26], [sflag:$0x2], $0x4000, $0x38;
	[tilespmem:$0xC880] =	vst v63  }
0x99: {  	_ =	swait.ge [sflag:s23], $0x4000  }
0x9a: {  	[sflag:s23] =	ssyncset.done $0x0  }
0x9b: {  	s1 =	simm.s32 $0x8700;
	[sflag:s23] =	ssyncadd.s32 $0xFFFFC000  }
0x9c: {  	[tilespmem:s26], [sflag:$0x1] =	stream.indirect.gather [hbm4b:s4+s25], $0x80, s1, s25, $0xb8;
	[tilespmem:$0xC880] =	vst v63  }
0x9d: {  	_ =	swait.ge [sflag:s28], $0x4000  }
0x9e: {  	[sflag:s28] =	ssyncset.done $0x0  }
0x9f: {  	[sflag:s28] =	ssyncadd.s32 $0xFFFFC000  }
0xa0: {  	[hbm4b:s19+s2] =	stream.linear.scatter [tilespmem:s26], [sflag:$0x2], $0x4000, $0x38;
	[tilespmem:$0xC880] =	vst v63  }
0xa1: {  	_ =	swait.ge [sflag:s23], $0x4000  }
0xa2: {  	[sflag:s23] =	ssyncset.done $0x0  }
0xa3: {  	s31 =	simm.s32 $0x8780;
	[sflag:s23] =	ssyncadd.s32 $0xFFFFC000  }
0xa4: {  	[tilespmem:s26], [sflag:$0x1] =	stream.indirect.gather [hbm4b:s4+s25], $0x80, s31, s25, $0xb8;
	[tilespmem:$0xC880] =	vst v63  }
0xa5: {  	_ =	swait.ge [sflag:s28], $0x4000  }
0xa6: {  	[sflag:s28] =	ssyncset.done $0x0  }
0xa7: {  	[sflag:s28] =	ssyncadd.s32 $0xFFFFC000  }
0xa8: {  	[hbm4b:s20+s2] =	stream.linear.scatter [tilespmem:s26], [sflag:$0x2], $0x4000, $0x38;
	[tilespmem:$0xC880] =	vst v63  }
0xa9: {  	_ =	swait.ge [sflag:s23], $0x4000  }
0xaa: {  	[sflag:s23] =	ssyncset.done $0x0  }
0xab: {  	[sflag:s23] =	ssyncadd.s32 $0xFFFFC000  }
0xac: {  	[tilespmem:s26], [sflag:$0x1] =	stream.indirect.gather [hbm4b:s4+s25], $0x80, s29, s25, $0xb8;
	[tilespmem:$0xC880] =	vst v63  }
0xad: {  	s30 =	sadd.s32 $0x1, s30;
	_ =	swait.ge [sflag:s28], $0x4000  }
0xae: {  	p0 =	sne.s32 s30, s22;
	[sflag:s28] =	ssyncset.done $0x0  }
.Ltmp2:
0xaf: {  	[sflag:s28] =	ssyncadd.s32 $0xFFFFC000;
	(pc) =	sbr.rel @p0 .LBB2_1-.Ltmp2, $4  }
0xb0: {  	[hbm4b:s21+s2] =	stream.linear.scatter [tilespmem:s26], [sflag:$0x2], $0x4000, $0x38;
	[tilespmem:$0xC880] =	vst v63  }
0xb1: {  	_ =	swait.ge [sflag:s23], $0x4000  }
0xb2: {  	[sflag:s23] =	ssyncset.done $0x0  }
0xb3: {  	[sflag:s23] =	ssyncadd.s32 $0xFFFFC000  }
0xb4: {  	_ =	sfence.sel $0x180000  }
0xb5: {  	[bflag:$0x0] =	sbarrier.arrive $0xFFFF  }
0xb6: {  	_ =	strace $0x90000047  }
0xb7: {  	s0 =	stileid.u32;
	[bflag:$0x2] =	sbarrier.arrive $0xFFFF  }
0xb8: {  	p0 =	sne.s32 s0, $0x0;
	s0 =	rddreg [dreg:$0x1]  }
0xb9: {  	s0 =	sadd.s32 @!p0 $0x100000, s0  }
0xba: {  	[sflag:s0] =	ssyncadd.tile.s32 @!p0 $0x1;
	_ =	shalt  }
.Lfunc_end2:
_tile_overlayer_lowered:
.L_overlay_start_2:
0xbb: {  	(tag) =	ssettag $0x2  }
0xbc: {  	s0 =	rddreg [dreg:$0x0];
	s2 =	stileid.u32  }
0xbd: {  	s1 =	rddreg [dreg:$0x1];
	p0 =	sne.s32 s2, $0x0  }
0xbe: {  	s3 =	rddreg [dreg:$0x2];
	[bflag:$0x3] =	sbarrier.arrive $0xFFFF;
	s2 =	simm.s32 @!p0 $0x1C02  }
0xbf: {  	[timem:s3], [sflag:s2] =	dma.local @!p0 [hbm:s0], s1  }
0xc0: {  	s0 =	simm.s32 @!p0 $0x2  }
0xc1: {  	_ =	swait.ge @!p0 [sflag:s0], s1  }
0xc2: {  	s1 =	ssub.s32 @!p0 $0x0, s1;
	[sflag:s0] =	ssyncset.done @!p0 $0x0  }
0xc3: {  	[sflag:s0] =	ssyncadd.s32 @!p0 s1  }
0xc4: {  	[bflag:$0x3] =	sbarrier.arrive $0xFFFF  }
0xc5: {  	_ =	shalt  }

// kernel: kernel.9.cloned.1.call-start
scs
__scs_entry_jumppad:
0x0: {  	(pc) =	sbr.rel $0x88, $3  }
0x1: {  	(tag) =	ssettag $0x0;
	lr =	simm.s32 $0x1  }
0x2: {  	[smem:$0x3F9E] =	sst lr;
	_ =	strace $0xD0000000  }
0x3: {  	_ = 	snop  }
0x4: {  	_ = 	snop  }
0x5: {  	_ = 	snop  }
0x6: {  	_ = 	snop  }
0x7: {  	_ = 	snop  }
__scs_overlays_trampoline_lowered:
0x8: {  	[smem:$0x3FAD] =	sst s0  }
0x9: {  	[smem:$0x3FAE] =	sst s1  }
0xa: {  	[smem:$0x3FAF] =	sst s2  }
0xb: {  	[smem:$0x3FB0] =	sst s3  }
0xc: {  	[smem:$0x3FB1] =	sst s4  }
0xd: {  	[smem:$0x3FB2] =	sst s5  }
0xe: {  	[smem:$0x3FB3] =	sst s6  }
0xf: {  	[smem:$0x3FB4] =	sst s7  }
0x10: {  	[smem:$0x3FB5] =	sst s8  }
0x11: {  	[smem:$0x3FB6] =	sst s9;
	s0 =	simm.s32 @!p0 $0x0  }
0x12: {  	s1 =	sld [smem:$0x3F9C];
	s0 =	simm.s32 @p0 $0x1  }
0x13: {  	[smem:$0x3FB7] =	sst s0;
	s0 =	simm.s32 @!p1 $0x0  }
0x14: {  	s2 =	sld [smem:$0x3F9B];
	s0 =	simm.s32 @p1 $0x1  }
0x15: {  	[smem:$0x3FB8] =	sst s0;
	s0 =	simm.s32 @!p2 $0x0  }
0x16: {  	s3 =	sld [smem:$0x3FDB];
	s0 =	simm.s32 @p2 $0x1  }
0x17: {  	s4 =	simm.s32 $0x1BF5;
	[smem:$0x3FBA] =	sst s0  }
0x18: {  	s0 =	sld [smem:$0x3F9D];
	_ =	swait.ge [sflag:s4], $0x0  }
0x19: {  	s7 =	sld [smem:$0x3F9E]  }
0x1a: {  	s8 =	sadd.s32 $0xFFFFE003, lr  }
0x1b: {  	s9 =	sadd.s32 $0xFFFFFEF7, lr;
	s5 =	simm.s32 $0xFFFFFFFF;
	p2 =	slt.u32 s8, $0xFFFFF086  }
0x1c: {  	p1 =	slt.u32 s9, $0xF7A;
	s5 =	simm.s32 @!p2 $0x0  }
0x1d: {  	s5 =	simm.s32 @p1 $0x1;
	p0 =	seq.s32 s7, s2  }
0x1e: {  	s7 =	smul.u32 @!p0 $0xF7A, s2;
	p2 =	seq.s32 @!p0 s5, $0x0  }
0x1f: {  	s9 =	smul.u32 $0xF7A, s1;
	s8 =	simm.s32 @!p0 $0x1BF5;
	p2 =	por !p2, p0  }
0x20: {  	[sflag:s8] =	ssyncset.s32 @!p0 $0xFFFFF086;
	s6 =	sadd.s32 @!p0 s3, s7;
	s7 =	simm.s32 @!p0 $0x108  }
0x21: {  	s3 =	sadd.s32 s3, s9;
	s6 =	sadd.s32 @!p0 $0x88, s6;
	s7 =	simm.s32 @p2 $0x1082  }
0x22: {  	[simem:s7], [sflag:s8] =	dma.local @!p0 [hbm:s6], $0xF7A  }
0x23: {  	s9 =	sor.u32 $0xD0000000, s2;
	s6 =	simm.s32 $0x108;
	_ =	swait.ge @!p0 [sflag:s8], $0x0  }
0x24: {  	s3 =	sadd.s32 $0x88, s3;
	s6 =	simm.s32 @!p1 $0x1082;
	[sflag:s4] =	ssyncset.s32 $0xFFFFF086  }
0x25: {  	[simem:s6], [sflag:s4] =	dma.local [hbm:s3], $0xF7A  }
0x26: {  	[smem:$0x3F9E] =	sst s1;
	(tag) =	ssettag s2;
	_ =	strace s9  }
0x27: {  	s1 =	sld [smem:$0x3FAE]  }
0x28: {  	s2 =	sld [smem:$0x3FAF]  }
0x29: {  	s4 =	sld [smem:$0x3FB1]  }
0x2a: {  	p0 =	seq.s32 s5, $0x0;
	s5 =	sld [smem:$0x3FB2]  }
0x2b: {  	s6 =	sld [smem:$0x3FB3]  }
0x2c: {  	s7 =	sld [smem:$0x3FB4]  }
0x2d: {  	s3 =	simm.s32 $0x108;
	s8 =	sld [smem:$0x3FB5]  }
0x2e: {  	s3 =	simm.s32 @!p0 $0x1082;
	s9 =	sld [smem:$0x3FB6]  }
0x2f: {  	lr =	sadd.s32 s0, s3;
	s0 =	sld [smem:$0x3FAD]  }
0x30: {  	s3 =	sld [smem:$0x3FB0]  }
0x31: {  	[smem:$0x3FB9] =	sst s10  }
0x32: {  	s10 =	sld [smem:$0x3FB7];
	_ =	sdelay $0x3  }
0x33: {  	p0 =	seq.s32 s10, $0x1;
	s10 =	sld [smem:$0x3FB9];
	_ =	sdelay $0x3  }
0x34: {  	[smem:$0x3FB9] =	sst s10  }
0x35: {  	s10 =	sld [smem:$0x3FB8];
	_ =	sdelay $0x3  }
0x36: {  	p1 =	seq.s32 s10, $0x1;
	s10 =	sld [smem:$0x3FB9];
	_ =	sdelay $0x3  }
0x37: {  	[smem:$0x3FB9] =	sst s10  }
0x38: {  	s10 =	sld [smem:$0x3FBA]  }
0x39: {  	_ = 	snop;
	(pc) =	sbr.ind lr, $3  }
0x3a: {  	_ = 	snop  }
0x3b: {  	_ = 	snop  }
0x3c: {  	p2 =	seq.s32 s10, $0x1;
	s10 =	sld [smem:$0x3FB9]  }
0x3d: {  	_ =	shalt  }
0x3e: {  	_ =	shalt  }
0x3f: {  	_ =	shalt  }
0x40: {  	_ =	shalt  }
0x41: {  	_ =	shalt  }
0x42: {  	_ =	shalt  }
0x43: {  	_ =	shalt  }
0x44: {  	_ =	shalt  }
0x45: {  	_ =	shalt  }
0x46: {  	_ =	shalt  }
0x47: {  	_ =	shalt  }
0x48: {  	_ =	shalt  }
0x49: {  	_ =	shalt  }
0x4a: {  	_ =	shalt  }
0x4b: {  	_ =	shalt  }
0x4c: {  	_ =	shalt  }
0x4d: {  	_ =	shalt  }
0x4e: {  	_ =	shalt  }
0x4f: {  	_ =	shalt  }
0x50: {  	_ =	shalt  }
0x51: {  	_ =	shalt  }
0x52: {  	_ =	shalt  }
0x53: {  	_ =	shalt  }
0x54: {  	_ =	shalt  }
0x55: {  	_ =	shalt  }
0x56: {  	_ =	shalt  }
0x57: {  	_ =	shalt  }
0x58: {  	_ =	shalt  }
0x59: {  	_ =	shalt  }
0x5a: {  	_ =	shalt  }
0x5b: {  	_ =	shalt  }
0x5c: {  	_ =	shalt  }
0x5d: {  	_ =	shalt  }
0x5e: {  	_ =	shalt  }
0x5f: {  	_ =	shalt  }
0x60: {  	_ =	shalt  }
0x61: {  	_ =	shalt  }
0x62: {  	_ =	shalt  }
0x63: {  	_ =	shalt  }
0x64: {  	_ =	shalt  }
0x65: {  	_ =	shalt  }
0x66: {  	_ =	shalt  }
0x67: {  	_ =	shalt  }
0x68: {  	_ =	shalt  }
0x69: {  	_ =	shalt  }
0x6a: {  	_ =	shalt  }
0x6b: {  	_ =	shalt  }
0x6c: {  	_ =	shalt  }
0x6d: {  	_ =	shalt  }
0x6e: {  	_ =	shalt  }
0x6f: {  	_ =	shalt  }
0x70: {  	_ =	shalt  }
0x71: {  	_ =	shalt  }
0x72: {  	_ =	shalt  }
0x73: {  	_ =	shalt  }
0x74: {  	_ =	shalt  }
0x75: {  	_ =	shalt  }
0x76: {  	_ =	shalt  }
0x77: {  	_ =	shalt  }
0x78: {  	_ =	shalt  }
0x79: {  	_ =	shalt  }
0x7a: {  	_ =	shalt  }
0x7b: {  	_ =	shalt  }
0x7c: {  	_ =	shalt  }
0x7d: {  	_ =	shalt  }
0x7e: {  	_ =	shalt  }
0x7f: {  	_ =	shalt  }
0x80: {  	_ =	shalt  }
0x81: {  	_ =	shalt  }
0x82: {  	_ =	shalt  }
0x83: {  	_ =	shalt  }
0x84: {  	_ =	shalt  }
0x85: {  	_ =	shalt  }
0x86: {  	_ =	shalt  }
0x87: {  	_ =	shalt  }
.Lfunc_end0:
.L_simem_size_0:
called_computation.1_lowered:
.L_overlay_start_0:
0x88: {  	s2 =	sld [smem:$0x3FD9]  }
0x89: {  	s3 =	sld [smem:$0x3FFE];
	_ =	sdelay $0x1  }
0x8a: {  	s1 =	srdreg.scid  }
0x8b: {  	s0 =	sand.u32 $0x1, s1  }
0x8c: {  	s17 =	sshll.u32 s0, $0xA;
	s2 =	sadd.s32 s3, s2  }
0x8d: {  	s2 =	sadd.s32 s2, s17  }
0x8e: {  	[smem:$0x3FC5] =	sst s2  }
0x8f: {  	_ = 	snop  }
0x90: {  	s2 =	sld [smem:$0x3FD0];
	(tm) =	ssettm $0x1  }
0x91: {  	s18 =	sld [smem:$0x3FFB];
	_ =	sdelay $0x3  }
0x92: {  	_ =	strace s18  }
0x93: {  	s3 =	sld [smem:$0x3FFC];
	_ =	sdelay $0x3  }
0x94: {  	_ =	strace s3  }
0x95: {  	s3 =	sld [smem:$0x3FFD];
	_ =	sdelay $0x3  }
0x96: {  	_ =	strace s3  }
0x97: {  	_ =	strace $0x8FFFFFFF  }
0x98: {  	s19 =	sld [smem:$0x3FDB];
	_ =	sdelay $0x1  }
0x99: {  	s4 =	simm.s32 $_scs_section_size  }
0x9a: {  	s5 =	simm.s32 $_size__tile_overlayer_lowered;
	s6 =	simm.s32 $_tile_overlayer_lowered  }
0x9b: {  	s22 =	simm.s32 $0x1BFF;
	s21 =	sshll.u32 s6, $0x1;
	s3 =	sadd.s32 s4, s19  }
0x9c: {  	s7 =	simm.s32 $0x0;
	s20 =	sshll.u32 s5, $0x1;
	s5 =	sadd.s32 s21, s3  }
0x9d: {  	[timem:s7], [sflag:s22] =	dma.local [hbm:s5], s20  }
0x9e: {  	_ =	swait.ge [sflag:s22], s20  }
0x9f: {  	s4 =	ssub.s32 $0x0, s20;
	[sflag:s22] =	ssyncset.done $0x0  }
0xa0: {  	[sflag:s22] =	ssyncadd.s32 s4;
	_ =	sdelay $0x1  }
0xa1: {  	s23 =	simm.s32 $0x1B8B  }
0xa2: {  	_ =	swait.ge [sflag:s23], $0x1  }
0xa3: {  	[sflag:s23] =	ssyncset.done $0x0  }
0xa4: {  	s25 =	simm.s32 $0x1B8E;
	s24 =	sld [smem:$0x3FFE];
	[sflag:s23] =	ssyncadd.s32 $0xFFFFFFFF  }
0xa5: {  	s26 =	simm.s32 $execute0_lowered;
	[smem:$0x3FD2] =	sst s25  }
0xa6: {  	s5 =	sshll.u32 s26, $0x1;
	_ =	strace $0x80000049;
	[dreg:$0x1] =	wrdreg $0xFFFFFFFF  }
0xa7: {  	s28 =	simm.s32 $_size_execute0_lowered;
	s3 =	sadd.s32 s3, s5;
	[dreg:$0x0] =	wrdreg $0x0  }
0xa8: {  	s5 =	sshll.u32 s28, $0x1;
	[dreg:$0x2] =	wrdreg s3  }
0xa9: {  	[dreg:$0x3] =	wrdreg s5  }
0xaa: {  	[dreg:$0x4] =	wrdreg $0xC0  }
0xab: {  	_ =	task [dreg:s7], $0x5FFFF  }
0xac: {  	[dreg:$0x1] =	wrdreg $0xFFFFFFFF  }
0xad: {  	[dreg:$0x0] =	wrdreg $0x60  }
0xae: {  	[dreg:$0x2] =	wrdreg s24  }
0xaf: {  	[dreg:$0x3] =	wrdreg s2  }
0xb0: {  	[dreg:$0x4] =	wrdreg $0x9  }
0xb1: {  	_ =	task.clear_ibuf [dreg:s7], $0x5FFFF;
	_ =	strace $0x90000049  }
0xb2: {  	s29 =	simm.s32 $0x9;
	_ =	strace $0x8000004B  }
0xb3: {  	_ =	swait.ge [sflag:s29], $0x1  }
0xb4: {  	[sflag:s29] =	ssyncadd.s32 $0xFFFFFFFF  }
0xb5: {  	_ =	strace $0x9000004B  }
0xb6: {  	_ =	sfence  }
0xb7: {  	s30 =	sld [smem:$0x0];
	_ =	sdelay $0x2  }
0xb8: {  	s31 =	sshll.u32 s1, $0xD;
	s1 =	sshrl.u32 s1, $0x2  }
0xb9: {  	s3 =	sand.u32 $0x4000, s31;
	s1 =	sadd.s32 s1, s30  }
0xba: {  	s0 =	sor.u32 s3, s0;
	s1 =	sshll.u32 s1, $0x11  }
0xbb: {  	s0 =	sor.u32 s1, s0  }
0xbc: {  	s0 =	sadd.s32 $0x8F2B, s0  }
0xbd: {  	[sflag:s0] =	ssyncadd.remote.s32 $0x1  }
0xbe: {  	_ =	sfence.sel $0xFFFF  }
0xbf: {  	[dreg:$0x0] =	wrdreg $0xFFFFFFFF;
	(pc) =	sbr.abs _section_cstart, $3  }
0xc0: {  	[dreg:$0x1] =	wrdreg $0xFFFFFFFF  }
0xc1: {  	_ =	task.clear_ibuf [dreg:s7], $0x2FFFF;
	_ =	strace $0x9FFFFFFF  }
0xc2: {  	(tm) =	ssettm $0x7FFFFFFF  }
0xc3: {  	_ =	shalt  }
tec
execute0_lowered:
.L_overlay_start_1:
0x0: {  	(tag) =	ssettag $0x1  }
0x1: {  	s1 =	srdreg.scid  }
0x2: {  	s0 =	stileid.u32;
	s21 =	sand.u32 $0x1, s1  }
0x3: {  	s5 =	rddreg [dreg:$0x0];
	s31 =	sshll.u32 s0, $0xB;
	s2 =	sshll.u32 s21, $0xA  }
0x4: {  	s9 =	rddreg [dreg:$0x1];
	s10 =	sor.u32 s2, s31  }
0x5: {  	s1 =	rddreg [dreg:$0x2];
	s2 =	simm.s32 $0x0;
	s3 =	sshrl.u32 s10, $0x3  }
0x6: {  	[smem:$0x7FF] =	sst s2;
	s3 =	sadd.s32 s3, s5  }
0x7: {  	_ =	strace $0x8000004A;
	s4 =	sadd.s32 $0xC00, s3;
	s3 =	simm.s32 $0x2  }
0x8: {  	[tilespmem:s2], [sflag:$0x2] =	stream.linear.gather [hbm4b:s4+s2], $0x400, $0x38;
	[tilespmem:$0x4400] =	vst v63  }
0x9: {  	_ =	swait.ge [sflag:s3], $0x400  }
0xa: {  	s6 =	simm.s32 $0x80;
	s7 =	simm.s32 $0x400;
	[sflag:s3] =	ssyncset.done $0x0  }
0xb: {  	s8 =	simm.s32 $0x1;
	s5 =	sadd.s32 $0x192000, s5;
	[sflag:s3] =	ssyncadd.s32 $0xFFFFFC00  }
0xc: {  	[tilespmem:s7], [sflag:$0x1] =	stream.indirect.gather [hbm4b:s5+s6], $0x80, s2, s6, $0xb8;
	[tilespmem:$0x4400] =	vst v63  }
0xd: {  	_ =	swait.ge [sflag:s8], $0x4000  }
0xe: {  	s10 =	sshll.u32 s10, $0x4;
	[sflag:s8] =	ssyncset.done $0x0  }
0xf: {  	s9 =	sadd.s32 s9, s10;
	[sflag:s8] =	ssyncadd.s32 $0xFFFFC000  }
0x10: {  	[hbm4b:s9+s2] =	stream.linear.scatter [tilespmem:s7], [sflag:$0x2], $0x4000, $0x38;
	[tilespmem:$0x4400] =	vst v63  }
0x11: {  	_ =	swait.ge [sflag:s3], $0x4000  }
0x12: {  	[sflag:s3] =	ssyncset.done $0x0  }
0x13: {  	[sflag:s3] =	ssyncadd.s32 $0xFFFFC000  }
0x14: {  	[tilespmem:s7], [sflag:$0x1] =	stream.indirect.gather [hbm4b:s5+s6], $0x80, s6, s6, $0xb8;
	[tilespmem:$0x4400] =	vst v63  }
0x15: {  	_ =	swait.ge [sflag:s8], $0x4000  }
0x16: {  	[sflag:s8] =	ssyncset.done $0x0  }
0x17: {  	s10 =	sadd.s32 $0x800, s9;
	[sflag:s8] =	ssyncadd.s32 $0xFFFFC000  }
0x18: {  	[hbm4b:s10+s2] =	stream.linear.scatter [tilespmem:s7], [sflag:$0x2], $0x4000, $0x38;
	[tilespmem:$0x4400] =	vst v63  }
0x19: {  	_ =	swait.ge [sflag:s3], $0x4000  }
0x1a: {  	[sflag:s3] =	ssyncset.done $0x0  }
0x1b: {  	s11 =	simm.s32 $0x100;
	[sflag:s3] =	ssyncadd.s32 $0xFFFFC000  }
0x1c: {  	[tilespmem:s7], [sflag:$0x1] =	stream.indirect.gather [hbm4b:s5+s6], $0x80, s11, s6, $0xb8;
	[tilespmem:$0x4400] =	vst v63  }
0x1d: {  	_ =	swait.ge [sflag:s8], $0x4000  }
0x1e: {  	[sflag:s8] =	ssyncset.done $0x0  }
0x1f: {  	s12 =	sadd.s32 $0x1000, s9;
	[sflag:s8] =	ssyncadd.s32 $0xFFFFC000  }
0x20: {  	[hbm4b:s12+s2] =	stream.linear.scatter [tilespmem:s7], [sflag:$0x2], $0x4000, $0x38;
	[tilespmem:$0x4400] =	vst v63  }
0x21: {  	_ =	swait.ge [sflag:s3], $0x4000  }
0x22: {  	[sflag:s3] =	ssyncset.done $0x0  }
0x23: {  	s13 =	simm.s32 $0x180;
	[sflag:s3] =	ssyncadd.s32 $0xFFFFC000  }
0x24: {  	[tilespmem:s7], [sflag:$0x1] =	stream.indirect.gather [hbm4b:s5+s6], $0x80, s13, s6, $0xb8;
	[tilespmem:$0x4400] =	vst v63  }
0x25: {  	_ =	swait.ge [sflag:s8], $0x4000  }
0x26: {  	[sflag:s8] =	ssyncset.done $0x0  }
0x27: {  	s14 =	sadd.s32 $0x1800, s9;
	[sflag:s8] =	ssyncadd.s32 $0xFFFFC000  }
0x28: {  	[hbm4b:s14+s2] =	stream.linear.scatter [tilespmem:s7], [sflag:$0x2], $0x4000, $0x38;
	[tilespmem:$0x4400] =	vst v63  }
0x29: {  	_ =	swait.ge [sflag:s3], $0x4000  }
0x2a: {  	[sflag:s3] =	ssyncset.done $0x0  }
0x2b: {  	s15 =	simm.s32 $0x200;
	[sflag:s3] =	ssyncadd.s32 $0xFFFFC000  }
0x2c: {  	[tilespmem:s7], [sflag:$0x1] =	stream.indirect.gather [hbm4b:s5+s6], $0x80, s15, s6, $0xb8;
	[tilespmem:$0x4400] =	vst v63  }
0x2d: {  	_ =	swait.ge [sflag:s8], $0x4000  }
0x2e: {  	[sflag:s8] =	ssyncset.done $0x0  }
0x2f: {  	s16 =	sadd.s32 $0x2000, s9;
	[sflag:s8] =	ssyncadd.s32 $0xFFFFC000  }
0x30: {  	[hbm4b:s16+s2] =	stream.linear.scatter [tilespmem:s7], [sflag:$0x2], $0x4000, $0x38;
	[tilespmem:$0x4400] =	vst v63  }
0x31: {  	_ =	swait.ge [sflag:s3], $0x4000  }
0x32: {  	[sflag:s3] =	ssyncset.done $0x0  }
0x33: {  	s17 =	simm.s32 $0x280;
	[sflag:s3] =	ssyncadd.s32 $0xFFFFC000  }
0x34: {  	[tilespmem:s7], [sflag:$0x1] =	stream.indirect.gather [hbm4b:s5+s6], $0x80, s17, s6, $0xb8;
	[tilespmem:$0x4400] =	vst v63  }
0x35: {  	_ =	swait.ge [sflag:s8], $0x4000  }
0x36: {  	[sflag:s8] =	ssyncset.done $0x0  }
0x37: {  	s18 =	sadd.s32 $0x2800, s9;
	[sflag:s8] =	ssyncadd.s32 $0xFFFFC000  }
0x38: {  	[hbm4b:s18+s2] =	stream.linear.scatter [tilespmem:s7], [sflag:$0x2], $0x4000, $0x38;
	[tilespmem:$0x4400] =	vst v63  }
0x39: {  	_ =	swait.ge [sflag:s3], $0x4000  }
0x3a: {  	[sflag:s3] =	ssyncset.done $0x0  }
0x3b: {  	s19 =	simm.s32 $0x300;
	[sflag:s3] =	ssyncadd.s32 $0xFFFFC000  }
0x3c: {  	[tilespmem:s7], [sflag:$0x1] =	stream.indirect.gather [hbm4b:s5+s6], $0x80, s19, s6, $0xb8;
	[tilespmem:$0x4400] =	vst v63  }
0x3d: {  	_ =	swait.ge [sflag:s8], $0x4000  }
0x3e: {  	[sflag:s8] =	ssyncset.done $0x0  }
0x3f: {  	s22 =	ssub.s32 $0x2, s21;
	s20 =	sadd.s32 $0x3000, s9;
	[sflag:s8] =	ssyncadd.s32 $0xFFFFC000  }
0x40: {  	[hbm4b:s20+s2] =	stream.linear.scatter [tilespmem:s7], [sflag:$0x2], $0x4000, $0x38;
	[tilespmem:$0x4400] =	vst v63  }
0x41: {  	s23 =	sshrl.u32 s22, $0x1;
	_ =	swait.ge [sflag:s3], $0x4000  }
0x42: {  	s23 =	ssub.s32 s22, s23;
	[sflag:s3] =	ssyncset.done $0x0  }
0x43: {  	s21 =	simm.s32 $0x380;
	s23 =	smax.u32 s23, $0x1;
	[sflag:s3] =	ssyncadd.s32 $0xFFFFC000  }
0x44: {  	[tilespmem:s7], [sflag:$0x1] =	stream.indirect.gather [hbm4b:s5+s6], $0x80, s21, s6, $0xb8;
	[tilespmem:$0x4400] =	vst v63  }
0x45: {  	p0 =	sne.s32 s23, $0x1;
	_ =	swait.ge [sflag:s8], $0x4000  }
.Ltmp0:
0x46: {  	[sflag:s8] =	ssyncset.done $0x0;
	(pc) =	sbr.rel @!p0 .LBB2_2-.Ltmp0, $4  }
0x47: {  	s22 =	sadd.s32 $0x3800, s9;
	[sflag:s8] =	ssyncadd.s32 $0xFFFFC000  }
0x48: {  	[hbm4b:s22+s2] =	stream.linear.scatter [tilespmem:s7], [sflag:$0x2], $0x4000, $0x38;
	[tilespmem:$0x4400] =	vst v63  }
0x49: {  	_ =	swait.ge [sflag:s3], $0x4000  }
0x4a: {  	s23 =	sadd.s32 $0xFFFFFFFF, s23;
	[sflag:s3] =	ssyncset.done $0x0  }
.LBB2_1:
0x4b: {  	p0 =	sne.s32 s23, $0x1;
	s23 =	sadd.s32 $0xFFFFFFFF, s23;
	[sflag:s3] =	ssyncadd.s32 $0xFFFFC000  }
0x4c: {  	[tilespmem:s2], [sflag:$0x2] =	stream.linear.gather [hbm4b:s4+s2], $0x400, $0x38;
	[tilespmem:$0x4400] =	vst v63  }
0x4d: {  	_ =	swait.ge [sflag:s3], $0x400  }
0x4e: {  	[sflag:s3] =	ssyncset.done $0x0  }
0x4f: {  	[sflag:s3] =	ssyncadd.s32 $0xFFFFFC00  }
0x50: {  	[tilespmem:s7], [sflag:$0x1] =	stream.indirect.gather [hbm4b:s5+s6], $0x80, s2, s6, $0xb8;
	[tilespmem:$0x4400] =	vst v63  }
0x51: {  	_ =	swait.ge [sflag:s8], $0x4000  }
0x52: {  	[sflag:s8] =	ssyncset.done $0x0  }
0x53: {  	[sflag:s8] =	ssyncadd.s32 $0xFFFFC000  }
0x54: {  	[hbm4b:s9+s2] =	stream.linear.scatter [tilespmem:s7], [sflag:$0x2], $0x4000, $0x38;
	[tilespmem:$0x4400] =	vst v63  }
0x55: {  	_ =	swait.ge [sflag:s3], $0x4000  }
0x56: {  	[sflag:s3] =	ssyncset.done $0x0  }
0x57: {  	[sflag:s3] =	ssyncadd.s32 $0xFFFFC000  }
0x58: {  	[tilespmem:s7], [sflag:$0x1] =	stream.indirect.gather [hbm4b:s5+s6], $0x80, s6, s6, $0xb8;
	[tilespmem:$0x4400] =	vst v63  }
0x59: {  	_ =	swait.ge [sflag:s8], $0x4000  }
0x5a: {  	[sflag:s8] =	ssyncset.done $0x0  }
0x5b: {  	[sflag:s8] =	ssyncadd.s32 $0xFFFFC000  }
0x5c: {  	[hbm4b:s10+s2] =	stream.linear.scatter [tilespmem:s7], [sflag:$0x2], $0x4000, $0x38;
	[tilespmem:$0x4400] =	vst v63  }
0x5d: {  	_ =	swait.ge [sflag:s3], $0x4000  }
0x5e: {  	[sflag:s3] =	ssyncset.done $0x0  }
0x5f: {  	[sflag:s3] =	ssyncadd.s32 $0xFFFFC000  }
0x60: {  	[tilespmem:s7], [sflag:$0x1] =	stream.indirect.gather [hbm4b:s5+s6], $0x80, s11, s6, $0xb8;
	[tilespmem:$0x4400] =	vst v63  }
0x61: {  	_ =	swait.ge [sflag:s8], $0x4000  }
0x62: {  	[sflag:s8] =	ssyncset.done $0x0  }
0x63: {  	[sflag:s8] =	ssyncadd.s32 $0xFFFFC000  }
0x64: {  	[hbm4b:s12+s2] =	stream.linear.scatter [tilespmem:s7], [sflag:$0x2], $0x4000, $0x38;
	[tilespmem:$0x4400] =	vst v63  }
0x65: {  	_ =	swait.ge [sflag:s3], $0x4000  }
0x66: {  	[sflag:s3] =	ssyncset.done $0x0  }
0x67: {  	[sflag:s3] =	ssyncadd.s32 $0xFFFFC000  }
0x68: {  	[tilespmem:s7], [sflag:$0x1] =	stream.indirect.gather [hbm4b:s5+s6], $0x80, s13, s6, $0xb8;
	[tilespmem:$0x4400] =	vst v63  }
0x69: {  	_ =	swait.ge [sflag:s8], $0x4000  }
0x6a: {  	[sflag:s8] =	ssyncset.done $0x0  }
0x6b: {  	[sflag:s8] =	ssyncadd.s32 $0xFFFFC000  }
0x6c: {  	[hbm4b:s14+s2] =	stream.linear.scatter [tilespmem:s7], [sflag:$0x2], $0x4000, $0x38;
	[tilespmem:$0x4400] =	vst v63  }
0x6d: {  	_ =	swait.ge [sflag:s3], $0x4000  }
0x6e: {  	[sflag:s3] =	ssyncset.done $0x0  }
0x6f: {  	[sflag:s3] =	ssyncadd.s32 $0xFFFFC000  }
0x70: {  	[tilespmem:s7], [sflag:$0x1] =	stream.indirect.gather [hbm4b:s5+s6], $0x80, s15, s6, $0xb8;
	[tilespmem:$0x4400] =	vst v63  }
0x71: {  	_ =	swait.ge [sflag:s8], $0x4000  }
0x72: {  	[sflag:s8] =	ssyncset.done $0x0  }
0x73: {  	[sflag:s8] =	ssyncadd.s32 $0xFFFFC000  }
0x74: {  	[hbm4b:s16+s2] =	stream.linear.scatter [tilespmem:s7], [sflag:$0x2], $0x4000, $0x38;
	[tilespmem:$0x4400] =	vst v63  }
0x75: {  	_ =	swait.ge [sflag:s3], $0x4000  }
0x76: {  	[sflag:s3] =	ssyncset.done $0x0  }
0x77: {  	[sflag:s3] =	ssyncadd.s32 $0xFFFFC000  }
0x78: {  	[tilespmem:s7], [sflag:$0x1] =	stream.indirect.gather [hbm4b:s5+s6], $0x80, s17, s6, $0xb8;
	[tilespmem:$0x4400] =	vst v63  }
0x79: {  	_ =	swait.ge [sflag:s8], $0x4000  }
0x7a: {  	[sflag:s8] =	ssyncset.done $0x0  }
0x7b: {  	[sflag:s8] =	ssyncadd.s32 $0xFFFFC000  }
0x7c: {  	[hbm4b:s18+s2] =	stream.linear.scatter [tilespmem:s7], [sflag:$0x2], $0x4000, $0x38;
	[tilespmem:$0x4400] =	vst v63  }
0x7d: {  	_ =	swait.ge [sflag:s3], $0x4000  }
0x7e: {  	[sflag:s3] =	ssyncset.done $0x0  }
0x7f: {  	[sflag:s3] =	ssyncadd.s32 $0xFFFFC000  }
0x80: {  	[tilespmem:s7], [sflag:$0x1] =	stream.indirect.gather [hbm4b:s5+s6], $0x80, s19, s6, $0xb8;
	[tilespmem:$0x4400] =	vst v63  }
0x81: {  	_ =	swait.ge [sflag:s8], $0x4000  }
0x82: {  	[sflag:s8] =	ssyncset.done $0x0  }
0x83: {  	[sflag:s8] =	ssyncadd.s32 $0xFFFFC000  }
0x84: {  	[hbm4b:s20+s2] =	stream.linear.scatter [tilespmem:s7], [sflag:$0x2], $0x4000, $0x38;
	[tilespmem:$0x4400] =	vst v63  }
0x85: {  	_ =	swait.ge [sflag:s3], $0x4000  }
0x86: {  	[sflag:s3] =	ssyncset.done $0x0  }
0x87: {  	[sflag:s3] =	ssyncadd.s32 $0xFFFFC000  }
0x88: {  	[tilespmem:s7], [sflag:$0x1] =	stream.indirect.gather [hbm4b:s5+s6], $0x80, s21, s6, $0xb8;
	[tilespmem:$0x4400] =	vst v63  }
0x89: {  	_ =	swait.ge [sflag:s8], $0x4000  }
.Ltmp1:
0x8a: {  	[sflag:s8] =	ssyncset.done $0x0;
	(pc) =	sbr.rel @p0 .LBB2_1-.Ltmp1, $4  }
0x8b: {  	[sflag:s8] =	ssyncadd.s32 $0xFFFFC000  }
0x8c: {  	[hbm4b:s22+s2] =	stream.linear.scatter [tilespmem:s7], [sflag:$0x2], $0x4000, $0x38;
	[tilespmem:$0x4400] =	vst v63  }
0x8d: {  	_ =	swait.ge [sflag:s3], $0x4000  }
0x8e: {  	[sflag:s3] =	ssyncset.done $0x0  }
.LBB2_2:
0x8f: {  	[sflag:s3] =	ssyncadd.s32 $0xFFFFC000  }
0x90: {  	_ =	sfence.sel $0x180000  }
0x91: {  	[bflag:$0x0] =	sbarrier.arrive $0xFFFF  }
0x92: {  	p0 =	sne.s32 s0, $0x0;
	_ =	strace $0x9000004A  }
0x93: {  	s0 =	sadd.s32 @!p0 $0x100000, s1;
	[bflag:$0x2] =	sbarrier.arrive $0xFFFF  }
0x94: {  	[sflag:s0] =	ssyncadd.tile.s32 @!p0 $0x1;
	_ =	shalt  }
.Lfunc_end2:
_tile_overlayer_lowered:
.L_overlay_start_2:
0x95: {  	(tag) =	ssettag $0x2  }
0x96: {  	s0 =	rddreg [dreg:$0x0];
	s2 =	stileid.u32  }
0x97: {  	s1 =	rddreg [dreg:$0x1];
	p0 =	sne.s32 s2, $0x0  }
0x98: {  	s3 =	rddreg [dreg:$0x2];
	[bflag:$0x3] =	sbarrier.arrive $0xFFFF;
	s2 =	simm.s32 @!p0 $0x1C02  }
0x99: {  	[timem:s3], [sflag:s2] =	dma.local @!p0 [hbm:s0], s1  }
0x9a: {  	s0 =	simm.s32 @!p0 $0x2  }
0x9b: {  	_ =	swait.ge @!p0 [sflag:s0], s1  }
0x9c: {  	s1 =	ssub.s32 @!p0 $0x0, s1;
	[sflag:s0] =	ssyncset.done @!p0 $0x0  }
0x9d: {  	[sflag:s0] =	ssyncadd.s32 @!p0 s1  }
0x9e: {  	[bflag:$0x3] =	sbarrier.arrive $0xFFFF  }
0x9f: {  	_ =	shalt  }

</sc_bundles>
